<compile_context>
chip_gen: v7x
topology: tpu7x:2x2x1
jax: 0.10.2.dev20260603
libtpu: 0.0.44.dev20260713+nightly
codegen_flags: <defaults>
</compile_context>

<pallas_src>
import functools

import jax
import jax.numpy as jnp
from jax import lax
from jax.experimental import pallas as pl
from jax.experimental.pallas import tpu as pltpu
from jax.experimental.pallas import tpu_sc as plsc

_N = 10000
_S = 16
_B = _N // _S
_E = 320000
_DIN = 128
_DOUT = 64

_NBINS = _N * _S
_TILES = 16
_EPT = _E // _TILES
_BPT = _NBINS // _TILES


def _sc_build_adjacency(pos_flat, pos_ew, neg_flat, neg_ew):
    mesh = plsc.VectorSubcoreMesh(core_axis_name="c", subcore_axis_name="s")

    @functools.partial(
        pl.kernel,
        mesh=mesh,
        out_type=jax.ShapeDtypeStruct((2 * _NBINS,), jnp.float32),
        scratch_types=[
            pltpu.VMEM((_EPT,), jnp.int32),
            pltpu.VMEM((_EPT,), jnp.int32),
            pltpu.VMEM((_EPT,), jnp.float32),
            pltpu.VMEM((_BPT,), jnp.float32),
            pltpu.VMEM_SHARED((_NBINS,), jnp.float32),
            pltpu.SemaphoreType.DMA,
        ],
    )
    def k(pflat, pew, nflat, new, out, src_v, idx_v, w_v, buf_v, acc, sem):
        cid = lax.axis_index("c")
        sid = lax.axis_index("s")
        base = sid * _EPT

        def do_branch(eflat, ew):
            c1 = pltpu.async_copy(eflat.at[pl.ds(base, _EPT)], src_v, sem)
            c2 = pltpu.async_copy(eflat.at[pl.ds(_E + base, _EPT)], idx_v,
                                  sem)
            c3 = pltpu.async_copy(ew.at[pl.ds(base, _EPT)], w_v, sem)

            zeros16 = jnp.zeros((16,), jnp.float32)

            def zbody(i, carry):
                for u in range(5):
                    buf_v[pl.ds(i * 80 + u * 16, 16)] = zeros16
                return carry

            lax.fori_loop(0, _BPT // 80, zbody, 0)
            pltpu.sync_copy(buf_v, acc.at[pl.ds(sid * _BPT, _BPT)])
            plsc.subcore_barrier()
            c1.wait()
            c2.wait()
            c3.wait()

            def body(i, carry):
                for u in range(10):
                    o = i * 160 + u * 16
                    s16 = src_v[pl.ds(o, 16)]
                    d16 = idx_v[pl.ds(o, 16)]
                    idx_v[pl.ds(o, 16)] = (d16 << 4) | (s16 & 15)
                return carry

            lax.fori_loop(0, _EPT // 160, body, 0)
            pltpu.sync_copy(w_v, acc.at[idx_v], add=True)

        @pl.when(cid == 0)
        def _():
            do_branch(pflat, pew)

        @pl.when(cid == 1)
        def _():
            do_branch(nflat, new)

        plsc.subcore_barrier()
        pltpu.sync_copy(acc.at[pl.ds(sid * _BPT, _BPT)], buf_v)
        pltpu.sync_copy(buf_v, out.at[pl.ds(cid * _NBINS + sid * _BPT, _BPT)])

    return k(pos_flat, pos_ew, neg_flat, neg_ew)


_CB = 125
_CN = _CB * _S
_STEPS = _B // _CB


def _tc_body(posx_ref, negx_ref, ap_ref, an_ref, w_ref, b_ref, wb_ref,
             a_ref, bb_ref, pos_out, neg_out):
    Wm = w_ref[...]
    alpha = a_ref[0]
    bias = b_ref[...]

    def l2norm(x):
        n = jnp.sqrt(jnp.sum(x * x, axis=1, keepdims=True))
        return x / jnp.maximum(n, 1e-12)

    def branch(x, a3):
        xw = jnp.dot(x, Wm, preferred_element_type=jnp.float32)
        xw3 = xw.reshape(_CB, _S, _DOUT)
        agg = jax.lax.dot_general(
            a3, xw3, (((2,), (1,)), ((0,), (0,))),
            preferred_element_type=jnp.float32)
        h = agg + bias[None, None, :]
        h = jnp.where(h >= 0, h, alpha * h)
        anchor = h[:, _S - 1, :]
        pool = (jnp.sum(h, axis=1) - anchor) * (1.0 / (_S - 1))
        return l2norm(pool), l2norm(anchor)

    pp, anchor = branch(posx_ref[...], ap_ref[...].reshape(_CB, _S, _S))
    np_, _ = branch(negx_ref[...], an_ref[...].reshape(_CB, _S, _S))
    Wb0 = wb_ref[...]
    pa = jnp.dot(pp, Wb0, preferred_element_type=jnp.float32)
    na = jnp.dot(np_, Wb0, preferred_element_type=jnp.float32)
    bias_b = bb_ref[0]
    pos_out[...] = (jnp.sum(pa * anchor, axis=1, keepdims=True)
                    + bias_b)[None, :, :]
    neg_out[...] = (jnp.sum(na * anchor, axis=1, keepdims=True)
                    + bias_b)[None, :, :]


def _tc_dense(pos_x, neg_x, A4, W, b, Wb0, a, bb):
    return pl.pallas_call(
        _tc_body,
        grid=(_STEPS,),
        out_shape=(
            jax.ShapeDtypeStruct((_STEPS, _CB, 1), jnp.float32),
            jax.ShapeDtypeStruct((_STEPS, _CB, 1), jnp.float32),
        ),
        in_specs=[
            pl.BlockSpec((_CN, _DIN), lambda i: (i, 0)),
            pl.BlockSpec((_CN, _DIN), lambda i: (i, 0)),
            pl.BlockSpec((1, _CB, _S, _S), lambda i: (0, i, 0, 0)),
            pl.BlockSpec((1, _CB, _S, _S), lambda i: (1, i, 0, 0)),
            pl.BlockSpec((_DIN, _DOUT), lambda i: (0, 0)),
            pl.BlockSpec((_DOUT,), lambda i: (0,)),
            pl.BlockSpec((_DOUT, _DOUT), lambda i: (0, 0)),
            pl.BlockSpec(memory_space=pltpu.SMEM),
            pl.BlockSpec(memory_space=pltpu.SMEM),
        ],
        out_specs=(
            pl.BlockSpec((1, _CB, 1), lambda i: (i, 0, 0)),
            pl.BlockSpec((1, _CB, 1), lambda i: (i, 0, 0)),
        ),
    )(pos_x, neg_x, A4, A4, W, b, Wb0, a, bb)


def kernel(pos_in_feat, pos_edge_index, pos_edge_weight, neg_in_feat,
           neg_edge_index, neg_edge_weight, W, b, a, Wb, bb):
    A2 = _sc_build_adjacency(pos_edge_index.reshape(2 * _E), pos_edge_weight,
                             neg_edge_index.reshape(2 * _E), neg_edge_weight)
    pos_scores, neg_scores = _tc_dense(
        pos_in_feat, neg_in_feat, A2.reshape(2, _B, _S, _S), W, b, Wb[0], a,
        bb)
    return (pos_scores.reshape(_B), neg_scores.reshape(_B))

# --- scband reference (transcript-rebuilt; emitter-appended) ---
"""Pipeline reference for scband-co-lamodel-69200513073836 (READ-ONLY COPY).

The authoritative reference and input builder live on the scoring server;
editing this copy changes nothing except your own understanding.
"""

import jax, jax.numpy as jnp
import numpy as np

N = 10000
S = 16
B = N // S
E = 320000
DIN = 128
DOUT = 64

def _l2norm(x, eps=1e-12):
    n = jnp.sqrt(jnp.sum(x * x, axis=1, keepdims=True))
    return x / jnp.maximum(n, eps)

def setup_inputs(seed: int = 0) -> dict:
    key = jax.random.key(seed)
    ks = jax.random.split(key, 12)
    def make_edges(k1, k2, k3):
        sub = jax.random.randint(k1, (E,), 0, B)
        sl = jax.random.randint(k2, (E,), 0, S)
        dl = jax.random.randint(k3, (E,), 0, S)
        return jnp.stack([sub * S + sl, sub * S + dl], axis=0)
    pos_edge_index = make_edges(ks[0], ks[1], ks[2])
    neg_edge_index = make_edges(ks[3], ks[4], ks[5])
    inp = {
        "pos_in_feat": jax.random.normal(ks[6], (N, DIN), dtype=jnp.float32),
        "pos_edge_index": pos_edge_index,
        "pos_edge_weight": jax.random.uniform(ks[7], (E,), dtype=jnp.float32),
        "neg_in_feat": jax.random.normal(ks[8], (N, DIN), dtype=jnp.float32),
        "neg_edge_index": neg_edge_index,
        "neg_edge_weight": jax.random.uniform(ks[9], (E,), dtype=jnp.float32),
        "W": jax.random.normal(ks[10], (DIN, DOUT), dtype=jnp.float32) / np.sqrt(DIN),
        "b": jnp.zeros((DOUT,), dtype=jnp.float32),
        "a": jnp.full((1,), 0.25, dtype=jnp.float32),
        "Wb": jax.random.normal(ks[11], (1, DOUT, DOUT), dtype=jnp.float32) * 0.1,
        "bb": jnp.zeros((1,), dtype=jnp.float32),
    }
    return inp

def _gcn_branch(x, edge_index, edge_weight, W, b, a):
    # DGL GraphConv(norm='none') with edge_weight: in_feats > out_feats so project first
    src = edge_index[0]
    dst = edge_index[1]
    xw = x @ W
    msg = xw[src] * edge_weight[:, None]
    agg = jnp.zeros((x.shape[0], W.shape[1]), dtype=xw.dtype).at[dst].add(msg)
    h = agg + b
    h = jnp.where(h >= 0, h, a[0] * h)  # PReLU
    hr = h.reshape(B, S, -1)
    pool = jnp.mean(hr[:, :-1, :], axis=1)
    anchor = hr[:, -1, :]
    return _l2norm(pool), _l2norm(anchor)

def _discriminator(readout, anchor, Wb, bb):
    return jnp.einsum('bj,jk,bk->b', readout, Wb[0], anchor) + bb[0]

def reference(pos_in_feat, pos_edge_index, pos_edge_weight, neg_in_feat, neg_edge_index, neg_edge_weight, W, b, a, Wb, bb):
    pos_pool, anchor = _gcn_branch(pos_in_feat, pos_edge_index, pos_edge_weight, W, b, a)
    neg_pool, _ = _gcn_branch(neg_in_feat, neg_edge_index, neg_edge_weight, W, b, a)
    pos_scores = _discriminator(pos_pool, anchor, Wb, bb)
    neg_scores = _discriminator(neg_pool, anchor, Wb, bb)
    return (pos_scores, neg_scores)

if __name__ == "__main__":
    import jax
    _d = setup_inputs()
    print(jax.jit(kernel)(*tuple(_d.values())))

</pallas_src>

<mosaic_0001>
#map = affine_map<(d0, d1) -> (0)>
module attributes {stable_mosaic.version = 14 : i64} {
  func.func @k(%arg0: i32, %arg1: i32, %arg2: memref<640000xi32, #tpu.memory_space<hbm>>, %arg3: memref<320000xf32, #tpu.memory_space<hbm>>, %arg4: memref<640000xi32, #tpu.memory_space<hbm>>, %arg5: memref<320000xf32, #tpu.memory_space<hbm>>, %arg6: memref<320000xf32, #tpu.memory_space<hbm>>, %arg7: memref<20000xi32, #tpu.memory_space<vmem>>, %arg8: memref<20000xi32, #tpu.memory_space<vmem>>, %arg9: memref<20000xf32, #tpu.memory_space<vmem>>, %arg10: memref<10000xf32, #tpu.memory_space<vmem>>, %arg11: memref<160000xf32, #tpu.memory_space<vmem_shared>>, %arg12: memref<!tpu.dma_semaphore, #tpu.memory_space<semaphore_mem>>) attributes {dimension_semantics = [#tpu.dimension_semantics<core_parallel>, #tpu.dimension_semantics<subcore_parallel>], iteration_bounds = array<i64: 2, 16>, scalar_prefetch = 0 : i64, scratch_operands = 6 : i64, tpu.core_type = #tpu.core_type<sc_vector_subcore>, window_params = [{transform_indices = #map}, {transform_indices = #map}, {transform_indices = #map}, {transform_indices = #map}, {transform_indices = #map}]} {
    %mul3A = arith.constant 20000 : i32
    %mul3A_0 = arith.muli %arg1, %mul3A : i32
    %eq3A = arith.constant 0 : i32
    %eq3A_1 = arith.cmpi eq, %arg0, %eq3A : i32
    %convert_element_type3A = arith.extui %eq3A_1 : i1 to i32
    %cond3A = arith.constant 0 : i32
    %cond3A_2 = arith.cmpi ne, %convert_element_type3A, %cond3A : i32
    scf.if %cond3A_2 {
      %dma_start3A = tpu.memref_slice %arg2[%mul3A_0] : memref<640000xi32, #tpu.memory_space<hbm>> -> memref<20000xi32, #tpu.memory_space<hbm>>
      %dma_start3A_14 = tpu.memref_slice %arg2[%mul3A_0] : memref<640000xi32, #tpu.memory_space<hbm>> -> memref<20000xi32, #tpu.memory_space<hbm>>
      tpu.enqueue_dma source(%dma_start3A_14 : memref<20000xi32, #tpu.memory_space<hbm>>) target(%arg7 : memref<20000xi32, #tpu.memory_space<vmem>>) target_semaphore(%arg12 : memref<!tpu.dma_semaphore, #tpu.memory_space<semaphore_mem>>)
      %add3A_15 = arith.constant 320000 : i32
      %add3A_16 = arith.addi %add3A_15, %mul3A_0 : i32
      %dma_start3A_17 = tpu.memref_slice %arg2[%add3A_16] : memref<640000xi32, #tpu.memory_space<hbm>> -> memref<20000xi32, #tpu.memory_space<hbm>>
      %dma_start3A_18 = tpu.memref_slice %arg2[%add3A_16] : memref<640000xi32, #tpu.memory_space<hbm>> -> memref<20000xi32, #tpu.memory_space<hbm>>
      tpu.enqueue_dma source(%dma_start3A_18 : memref<20000xi32, #tpu.memory_space<hbm>>) target(%arg8 : memref<20000xi32, #tpu.memory_space<vmem>>) target_semaphore(%arg12 : memref<!tpu.dma_semaphore, #tpu.memory_space<semaphore_mem>>)
      %dma_start3A_19 = tpu.memref_slice %arg3[%mul3A_0] : memref<320000xf32, #tpu.memory_space<hbm>> -> memref<20000xf32, #tpu.memory_space<hbm>>
      %dma_start3A_20 = tpu.memref_slice %arg3[%mul3A_0] : memref<320000xf32, #tpu.memory_space<hbm>> -> memref<20000xf32, #tpu.memory_space<hbm>>
      tpu.enqueue_dma source(%dma_start3A_20 : memref<20000xf32, #tpu.memory_space<hbm>>) target(%arg9 : memref<20000xf32, #tpu.memory_space<vmem>>) target_semaphore(%arg12 : memref<!tpu.dma_semaphore, #tpu.memory_space<semaphore_mem>>)
      %broadcast_in_dim3A = arith.constant 0.000000e+00 : f32
      %broadcast_in_dim3A_21 = vector.broadcast %broadcast_in_dim3A : f32 to vector<16xf32>
      %scan3A = arith.constant 0 : i32
      %scan3A_22 = arith.constant 0 : i32
      %scan3A_23 = arith.constant 125 : i32
      %scan3A_24 = arith.addi %scan3A_22, %scan3A_23 : i32
      %scan3A_25 = arith.constant 1 : i32
      scf.for %scan3A_41 = %scan3A_22 to %scan3A_24 step %scan3A_25  : i32 {
        %mul3A_42 = arith.constant 80 : i32
        %mul3A_43 = arith.muli %scan3A_41, %mul3A_42 : i32
        %add3A_44 = arith.constant 0 : i32
        %add3A_45 = arith.addi %mul3A_43, %add3A_44 : i32
        %swap3A = arith.index_cast %add3A_45 : i32 to index
        %swap3A_46 = tpu.vector_load %arg10[%swap3A] {strides = array<i32>} : memref<10000xf32, #tpu.memory_space<vmem>>, vector<16xf32>,
        %swap3A_47 = vector.shape_cast %swap3A_46 : vector<16xf32> to vector<16xf32>
        %swap3A_48 = vector.shape_cast %broadcast_in_dim3A_21 : vector<16xf32> to vector<16xf32>
        tpu.vector_store %arg10[%swap3A], %swap3A_48 {strides = array<i32>} : memref<10000xf32, #tpu.memory_space<vmem>>, vector<16xf32>,
        %mul3A_49 = arith.constant 80 : i32
        %mul3A_50 = arith.muli %scan3A_41, %mul3A_49 : i32
        %add3A_51 = arith.constant 16 : i32
        %add3A_52 = arith.addi %mul3A_50, %add3A_51 : i32
        %swap3A_53 = arith.index_cast %add3A_52 : i32 to index
        %swap3A_54 = tpu.vector_load %arg10[%swap3A_53] {strides = array<i32>} : memref<10000xf32, #tpu.memory_space<vmem>>, vector<16xf32>,
        %swap3A_55 = vector.shape_cast %swap3A_54 : vector<16xf32> to vector<16xf32>
        %swap3A_56 = vector.shape_cast %broadcast_in_dim3A_21 : vector<16xf32> to vector<16xf32>
        tpu.vector_store %arg10[%swap3A_53], %swap3A_56 {strides = array<i32>} : memref<10000xf32, #tpu.memory_space<vmem>>, vector<16xf32>,
        %mul3A_57 = arith.constant 80 : i32
        %mul3A_58 = arith.muli %scan3A_41, %mul3A_57 : i32
        %add3A_59 = arith.constant 32 : i32
        %add3A_60 = arith.addi %mul3A_58, %add3A_59 : i32
        %swap3A_61 = arith.index_cast %add3A_60 : i32 to index
        %swap3A_62 = tpu.vector_load %arg10[%swap3A_61] {strides = array<i32>} : memref<10000xf32, #tpu.memory_space<vmem>>, vector<16xf32>,
        %swap3A_63 = vector.shape_cast %swap3A_62 : vector<16xf32> to vector<16xf32>
        %swap3A_64 = vector.shape_cast %broadcast_in_dim3A_21 : vector<16xf32> to vector<16xf32>
        tpu.vector_store %arg10[%swap3A_61], %swap3A_64 {strides = array<i32>} : memref<10000xf32, #tpu.memory_space<vmem>>, vector<16xf32>,
        %mul3A_65 = arith.constant 80 : i32
        %mul3A_66 = arith.muli %scan3A_41, %mul3A_65 : i32
        %add3A_67 = arith.constant 48 : i32
        %add3A_68 = arith.addi %mul3A_66, %add3A_67 : i32
        %swap3A_69 = arith.index_cast %add3A_68 : i32 to index
        %swap3A_70 = tpu.vector_load %arg10[%swap3A_69] {strides = array<i32>} : memref<10000xf32, #tpu.memory_space<vmem>>, vector<16xf32>,
        %swap3A_71 = vector.shape_cast %swap3A_70 : vector<16xf32> to vector<16xf32>
        %swap3A_72 = vector.shape_cast %broadcast_in_dim3A_21 : vector<16xf32> to vector<16xf32>
        tpu.vector_store %arg10[%swap3A_69], %swap3A_72 {strides = array<i32>} : memref<10000xf32, #tpu.memory_space<vmem>>, vector<16xf32>,
        %mul3A_73 = arith.constant 80 : i32
        %mul3A_74 = arith.muli %scan3A_41, %mul3A_73 : i32
        %add3A_75 = arith.constant 64 : i32
        %add3A_76 = arith.addi %mul3A_74, %add3A_75 : i32
        %swap3A_77 = arith.index_cast %add3A_76 : i32 to index
        %swap3A_78 = tpu.vector_load %arg10[%swap3A_77] {strides = array<i32>} : memref<10000xf32, #tpu.memory_space<vmem>>, vector<16xf32>,
        %swap3A_79 = vector.shape_cast %swap3A_78 : vector<16xf32> to vector<16xf32>
        %swap3A_80 = vector.shape_cast %broadcast_in_dim3A_21 : vector<16xf32> to vector<16xf32>
        tpu.vector_store %arg10[%swap3A_77], %swap3A_80 {strides = array<i32>} : memref<10000xf32, #tpu.memory_space<vmem>>, vector<16xf32>,
      }
      %scan3A_26 = arith.constant 125 : i32
      %mul3A_27 = arith.constant 10000 : i32
      %mul3A_28 = arith.muli %arg1, %mul3A_27 : i32
      "tpu.region"() ({
        %run_scoped3A = tpu.sem_alloc : memref<!tpu.dma_semaphore, #tpu.memory_space<semaphore_mem>>
        %dma_start3A_41 = tpu.memref_slice %arg11[%mul3A_28] : memref<160000xf32, #tpu.memory_space<vmem_shared>> -> memref<10000xf32, #tpu.memory_space<vmem_shared>>
        %dma_start3A_42 = tpu.memref_slice %arg11[%mul3A_28] : memref<160000xf32, #tpu.memory_space<vmem_shared>> -> memref<10000xf32, #tpu.memory_space<vmem_shared>>
        tpu.enqueue_dma source(%arg10 : memref<10000xf32, #tpu.memory_space<vmem>>) target(%dma_start3A_42 : memref<10000xf32, #tpu.memory_space<vmem_shared>>) target_semaphore(%run_scoped3A : memref<!tpu.dma_semaphore, #tpu.memory_space<semaphore_mem>>)
        %dma_wait3A_43 = tpu.memref_slice %arg11[%mul3A_28] : memref<160000xf32, #tpu.memory_space<vmem_shared>> -> memref<10000xf32, #tpu.memory_space<vmem_shared>>
        %dma_wait3A_44 = tpu.memref_slice %arg11[%mul3A_28] : memref<160000xf32, #tpu.memory_space<vmem_shared>> -> memref<10000xf32, #tpu.memory_space<vmem_shared>>
        tpu.wait_dma2 semaphore(%run_scoped3A : memref<!tpu.dma_semaphore, #tpu.memory_space<semaphore_mem>>) src(%arg10 : memref<10000xf32, #tpu.memory_space<vmem>>) dst(%dma_wait3A_44 : memref<10000xf32, #tpu.memory_space<vmem_shared>>)
        tpu.yield
      }) : () -> ()
      %barrier3A_29 = arith.constant 0 : index
      tpu.barrier barrier_id(%barrier3A_29)
      %dma_wait3A = tpu.memref_slice %arg2[%mul3A_0] : memref<640000xi32, #tpu.memory_space<hbm>> -> memref<20000xi32, #tpu.memory_space<hbm>>
      %dma_wait3A_30 = tpu.memref_slice %arg2[%mul3A_0] : memref<640000xi32, #tpu.memory_space<hbm>> -> memref<20000xi32, #tpu.memory_space<hbm>>
      tpu.wait_dma2 semaphore(%arg12 : memref<!tpu.dma_semaphore, #tpu.memory_space<semaphore_mem>>) src(%dma_wait3A_30 : memref<20000xi32, #tpu.memory_space<hbm>>) dst(%arg7 : memref<20000xi32, #tpu.memory_space<vmem>>)
      %dma_wait3A_31 = tpu.memref_slice %arg2[%add3A_16] : memref<640000xi32, #tpu.memory_space<hbm>> -> memref<20000xi32, #tpu.memory_space<hbm>>
      %dma_wait3A_32 = tpu.memref_slice %arg2[%add3A_16] : memref<640000xi32, #tpu.memory_space<hbm>> -> memref<20000xi32, #tpu.memory_space<hbm>>
      tpu.wait_dma2 semaphore(%arg12 : memref<!tpu.dma_semaphore, #tpu.memory_space<semaphore_mem>>) src(%dma_wait3A_32 : memref<20000xi32, #tpu.memory_space<hbm>>) dst(%arg8 : memref<20000xi32, #tpu.memory_space<vmem>>)
      %dma_wait3A_33 = tpu.memref_slice %arg3[%mul3A_0] : memref<320000xf32, #tpu.memory_space<hbm>> -> memref<20000xf32, #tpu.memory_space<hbm>>
      %dma_wait3A_34 = tpu.memref_slice %arg3[%mul3A_0] : memref<320000xf32, #tpu.memory_space<hbm>> -> memref<20000xf32, #tpu.memory_space<hbm>>
      tpu.wait_dma2 semaphore(%arg12 : memref<!tpu.dma_semaphore, #tpu.memory_space<semaphore_mem>>) src(%dma_wait3A_34 : memref<20000xf32, #tpu.memory_space<hbm>>) dst(%arg9 : memref<20000xf32, #tpu.memory_space<vmem>>)
      %scan3A_35 = arith.constant 0 : i32
      %scan3A_36 = arith.constant 0 : i32
      %scan3A_37 = arith.constant 125 : i32
      %scan3A_38 = arith.addi %scan3A_36, %scan3A_37 : i32
      %scan3A_39 = arith.constant 1 : i32
      scf.for %scan3A_41 = %scan3A_36 to %scan3A_38 step %scan3A_39  : i32 {
        %mul3A_42 = arith.constant 160 : i32
        %mul3A_43 = arith.muli %scan3A_41, %mul3A_42 : i32
        %add3A_44 = arith.constant 0 : i32
        %add3A_45 = arith.addi %mul3A_43, %add3A_44 : i32
        %get3A = arith.index_cast %add3A_45 : i32 to index
        %get3A_46 = tpu.vector_load %arg7[%get3A] {strides = array<i32>} : memref<20000xi32, #tpu.memory_space<vmem>>, vector<16xi32>,
        %get3A_47 = vector.shape_cast %get3A_46 : vector<16xi32> to vector<16xi32>
        %get3A_48 = arith.index_cast %add3A_45 : i32 to index
        %get3A_49 = tpu.vector_load %arg8[%get3A_48] {strides = array<i32>} : memref<20000xi32, #tpu.memory_space<vmem>>, vector<16xi32>,
        %get3A_50 = vector.shape_cast %get3A_49 : vector<16xi32> to vector<16xi32>
        %shift_left3A = arith.constant 4 : i32
        %shift_left3A_51 = vector.broadcast %shift_left3A : i32 to vector<16xi32>
        %shift_left3A_52 = arith.shli %get3A_50, %shift_left3A_51 : vector<16xi32>
        %and3A = arith.constant 15 : i32
        %and3A_53 = vector.broadcast %and3A : i32 to vector<16xi32>
        %and3A_54 = arith.andi %get3A_47, %and3A_53 : vector<16xi32>
        %or3A = arith.ori %shift_left3A_52, %and3A_54 : vector<16xi32>
        %swap3A = arith.index_cast %add3A_45 : i32 to index
        %swap3A_55 = tpu.vector_load %arg8[%swap3A] {strides = array<i32>} : memref<20000xi32, #tpu.memory_space<vmem>>, vector<16xi32>,
        %swap3A_56 = vector.shape_cast %swap3A_55 : vector<16xi32> to vector<16xi32>
        %swap3A_57 = vector.shape_cast %or3A : vector<16xi32> to vector<16xi32>
        tpu.vector_store %arg8[%swap3A], %swap3A_57 {strides = array<i32>} : memref<20000xi32, #tpu.memory_space<vmem>>, vector<16xi32>,
        %mul3A_58 = arith.constant 160 : i32
        %mul3A_59 = arith.muli %scan3A_41, %mul3A_58 : i32
        %add3A_60 = arith.constant 16 : i32
        %add3A_61 = arith.addi %mul3A_59, %add3A_60 : i32
        %get3A_62 = arith.index_cast %add3A_61 : i32 to index
        %get3A_63 = tpu.vector_load %arg7[%get3A_62] {strides = array<i32>} : memref<20000xi32, #tpu.memory_space<vmem>>, vector<16xi32>,
        %get3A_64 = vector.shape_cast %get3A_63 : vector<16xi32> to vector<16xi32>
        %get3A_65 = arith.index_cast %add3A_61 : i32 to index
        %get3A_66 = tpu.vector_load %arg8[%get3A_65] {strides = array<i32>} : memref<20000xi32, #tpu.memory_space<vmem>>, vector<16xi32>,
        %get3A_67 = vector.shape_cast %get3A_66 : vector<16xi32> to vector<16xi32>
        %shift_left3A_68 = arith.constant 4 : i32
        %shift_left3A_69 = vector.broadcast %shift_left3A_68 : i32 to vector<16xi32>
        %shift_left3A_70 = arith.shli %get3A_67, %shift_left3A_69 : vector<16xi32>
        %and3A_71 = arith.constant 15 : i32
        %and3A_72 = vector.broadcast %and3A_71 : i32 to vector<16xi32>
        %and3A_73 = arith.andi %get3A_64, %and3A_72 : vector<16xi32>
        %or3A_74 = arith.ori %shift_left3A_70, %and3A_73 : vector<16xi32>
        %swap3A_75 = arith.index_cast %add3A_61 : i32 to index
        %swap3A_76 = tpu.vector_load %arg8[%swap3A_75] {strides = array<i32>} : memref<20000xi32, #tpu.memory_space<vmem>>, vector<16xi32>,
        %swap3A_77 = vector.shape_cast %swap3A_76 : vector<16xi32> to vector<16xi32>
        %swap3A_78 = vector.shape_cast %or3A_74 : vector<16xi32> to vector<16xi32>
        tpu.vector_store %arg8[%swap3A_75], %swap3A_78 {strides = array<i32>} : memref<20000xi32, #tpu.memory_space<vmem>>, vector<16xi32>,
        %mul3A_79 = arith.constant 160 : i32
        %mul3A_80 = arith.muli %scan3A_41, %mul3A_79 : i32
        %add3A_81 = arith.constant 32 : i32
        %add3A_82 = arith.addi %mul3A_80, %add3A_81 : i32
        %get3A_83 = arith.index_cast %add3A_82 : i32 to index
        %get3A_84 = tpu.vector_load %arg7[%get3A_83] {strides = array<i32>} : memref<20000xi32, #tpu.memory_space<vmem>>, vector<16xi32>,
        %get3A_85 = vector.shape_cast %get3A_84 : vector<16xi32> to vector<16xi32>
        %get3A_86 = arith.index_cast %add3A_82 : i32 to index
        %get3A_87 = tpu.vector_load %arg8[%get3A_86] {strides = array<i32>} : memref<20000xi32, #tpu.memory_space<vmem>>, vector<16xi32>,
        %get3A_88 = vector.shape_cast %get3A_87 : vector<16xi32> to vector<16xi32>
        %shift_left3A_89 = arith.constant 4 : i32
        %shift_left3A_90 = vector.broadcast %shift_left3A_89 : i32 to vector<16xi32>
        %shift_left3A_91 = arith.shli %get3A_88, %shift_left3A_90 : vector<16xi32>
        %and3A_92 = arith.constant 15 : i32
        %and3A_93 = vector.broadcast %and3A_92 : i32 to vector<16xi32>
        %and3A_94 = arith.andi %get3A_85, %and3A_93 : vector<16xi32>
        %or3A_95 = arith.ori %shift_left3A_91, %and3A_94 : vector<16xi32>
        %swap3A_96 = arith.index_cast %add3A_82 : i32 to index
        %swap3A_97 = tpu.vector_load %arg8[%swap3A_96] {strides = array<i32>} : memref<20000xi32, #tpu.memory_space<vmem>>, vector<16xi32>,
        %swap3A_98 = vector.shape_cast %swap3A_97 : vector<16xi32> to vector<16xi32>
        %swap3A_99 = vector.shape_cast %or3A_95 : vector<16xi32> to vector<16xi32>
        tpu.vector_store %arg8[%swap3A_96], %swap3A_99 {strides = array<i32>} : memref<20000xi32, #tpu.memory_space<vmem>>, vector<16xi32>,
        %mul3A_100 = arith.constant 160 : i32
        %mul3A_101 = arith.muli %scan3A_41, %mul3A_100 : i32
        %add3A_102 = arith.constant 48 : i32
        %add3A_103 = arith.addi %mul3A_101, %add3A_102 : i32
        %get3A_104 = arith.index_cast %add3A_103 : i32 to index
        %get3A_105 = tpu.vector_load %arg7[%get3A_104] {strides = array<i32>} : memref<20000xi32, #tpu.memory_space<vmem>>, vector<16xi32>,
        %get3A_106 = vector.shape_cast %get3A_105 : vector<16xi32> to vector<16xi32>
        %get3A_107 = arith.index_cast %add3A_103 : i32 to index
        %get3A_108 = tpu.vector_load %arg8[%get3A_107] {strides = array<i32>} : memref<20000xi32, #tpu.memory_space<vmem>>, vector<16xi32>,
        %get3A_109 = vector.shape_cast %get3A_108 : vector<16xi32> to vector<16xi32>
        %shift_left3A_110 = arith.constant 4 : i32
        %shift_left3A_111 = vector.broadcast %shift_left3A_110 : i32 to vector<16xi32>
        %shift_left3A_112 = arith.shli %get3A_109, %shift_left3A_111 : vector<16xi32>
        %and3A_113 = arith.constant 15 : i32
        %and3A_114 = vector.broadcast %and3A_113 : i32 to vector<16xi32>
        %and3A_115 = arith.andi %get3A_106, %and3A_114 : vector<16xi32>
        %or3A_116 = arith.ori %shift_left3A_112, %and3A_115 : vector<16xi32>
        %swap3A_117 = arith.index_cast %add3A_103 : i32 to index
        %swap3A_118 = tpu.vector_load %arg8[%swap3A_117] {strides = array<i32>} : memref<20000xi32, #tpu.memory_space<vmem>>, vector<16xi32>,
        %swap3A_119 = vector.shape_cast %swap3A_118 : vector<16xi32> to vector<16xi32>
        %swap3A_120 = vector.shape_cast %or3A_116 : vector<16xi32> to vector<16xi32>
        tpu.vector_store %arg8[%swap3A_117], %swap3A_120 {strides = array<i32>} : memref<20000xi32, #tpu.memory_space<vmem>>, vector<16xi32>,
        %mul3A_121 = arith.constant 160 : i32
        %mul3A_122 = arith.muli %scan3A_41, %mul3A_121 : i32
        %add3A_123 = arith.constant 64 : i32
        %add3A_124 = arith.addi %mul3A_122, %add3A_123 : i32
        %get3A_125 = arith.index_cast %add3A_124 : i32 to index
        %get3A_126 = tpu.vector_load %arg7[%get3A_125] {strides = array<i32>} : memref<20000xi32, #tpu.memory_space<vmem>>, vector<16xi32>,
        %get3A_127 = vector.shape_cast %get3A_126 : vector<16xi32> to vector<16xi32>
        %get3A_128 = arith.index_cast %add3A_124 : i32 to index
        %get3A_129 = tpu.vector_load %arg8[%get3A_128] {strides = array<i32>} : memref<20000xi32, #tpu.memory_space<vmem>>, vector<16xi32>,
        %get3A_130 = vector.shape_cast %get3A_129 : vector<16xi32> to vector<16xi32>
        %shift_left3A_131 = arith.constant 4 : i32
        %shift_left3A_132 = vector.broadcast %shift_left3A_131 : i32 to vector<16xi32>
        %shift_left3A_133 = arith.shli %get3A_130, %shift_left3A_132 : vector<16xi32>
        %and3A_134 = arith.constant 15 : i32
        %and3A_135 = vector.broadcast %and3A_134 : i32 to vector<16xi32>
        %and3A_136 = arith.andi %get3A_127, %and3A_135 : vector<16xi32>
        %or3A_137 = arith.ori %shift_left3A_133, %and3A_136 : vector<16xi32>
        %swap3A_138 = arith.index_cast %add3A_124 : i32 to index
        %swap3A_139 = tpu.vector_load %arg8[%swap3A_138] {strides = array<i32>} : memref<20000xi32, #tpu.memory_space<vmem>>, vector<16xi32>,
        %swap3A_140 = vector.shape_cast %swap3A_139 : vector<16xi32> to vector<16xi32>
        %swap3A_141 = vector.shape_cast %or3A_137 : vector<16xi32> to vector<16xi32>
        tpu.vector_store %arg8[%swap3A_138], %swap3A_141 {strides = array<i32>} : memref<20000xi32, #tpu.memory_space<vmem>>, vector<16xi32>,
        %mul3A_142 = arith.constant 160 : i32
        %mul3A_143 = arith.muli %scan3A_41, %mul3A_142 : i32
        %add3A_144 = arith.constant 80 : i32
        %add3A_145 = arith.addi %mul3A_143, %add3A_144 : i32
        %get3A_146 = arith.index_cast %add3A_145 : i32 to index
        %get3A_147 = tpu.vector_load %arg7[%get3A_146] {strides = array<i32>} : memref<20000xi32, #tpu.memory_space<vmem>>, vector<16xi32>,
        %get3A_148 = vector.shape_cast %get3A_147 : vector<16xi32> to vector<16xi32>
        %get3A_149 = arith.index_cast %add3A_145 : i32 to index
        %get3A_150 = tpu.vector_load %arg8[%get3A_149] {strides = array<i32>} : memref<20000xi32, #tpu.memory_space<vmem>>, vector<16xi32>,
        %get3A_151 = vector.shape_cast %get3A_150 : vector<16xi32> to vector<16xi32>
        %shift_left3A_152 = arith.constant 4 : i32
        %shift_left3A_153 = vector.broadcast %shift_left3A_152 : i32 to vector<16xi32>
        %shift_left3A_154 = arith.shli %get3A_151, %shift_left3A_153 : vector<16xi32>
        %and3A_155 = arith.constant 15 : i32
        %and3A_156 = vector.broadcast %and3A_155 : i32 to vector<16xi32>
        %and3A_157 = arith.andi %get3A_148, %and3A_156 : vector<16xi32>
        %or3A_158 = arith.ori %shift_left3A_154, %and3A_157 : vector<16xi32>
        %swap3A_159 = arith.index_cast %add3A_145 : i32 to index
        %swap3A_160 = tpu.vector_load %arg8[%swap3A_159] {strides = array<i32>} : memref<20000xi32, #tpu.memory_space<vmem>>, vector<16xi32>,
        %swap3A_161 = vector.shape_cast %swap3A_160 : vector<16xi32> to vector<16xi32>
        %swap3A_162 = vector.shape_cast %or3A_158 : vector<16xi32> to vector<16xi32>
        tpu.vector_store %arg8[%swap3A_159], %swap3A_162 {strides = array<i32>} : memref<20000xi32, #tpu.memory_space<vmem>>, vector<16xi32>,
        %mul3A_163 = arith.constant 160 : i32
        %mul3A_164 = arith.muli %scan3A_41, %mul3A_163 : i32
        %add3A_165 = arith.constant 96 : i32
        %add3A_166 = arith.addi %mul3A_164, %add3A_165 : i32
        %get3A_167 = arith.index_cast %add3A_166 : i32 to index
        %get3A_168 = tpu.vector_load %arg7[%get3A_167] {strides = array<i32>} : memref<20000xi32, #tpu.memory_space<vmem>>, vector<16xi32>,
        %get3A_169 = vector.shape_cast %get3A_168 : vector<16xi32> to vector<16xi32>
        %get3A_170 = arith.index_cast %add3A_166 : i32 to index
        %get3A_171 = tpu.vector_load %arg8[%get3A_170] {strides = array<i32>} : memref<20000xi32, #tpu.memory_space<vmem>>, vector<16xi32>,
        %get3A_172 = vector.shape_cast %get3A_171 : vector<16xi32> to vector<16xi32>
        %shift_left3A_173 = arith.constant 4 : i32
        %shift_left3A_174 = vector.broadcast %shift_left3A_173 : i32 to vector<16xi32>
        %shift_left3A_175 = arith.shli %get3A_172, %shift_left3A_174 : vector<16xi32>
        %and3A_176 = arith.constant 15 : i32
        %and3A_177 = vector.broadcast %and3A_176 : i32 to vector<16xi32>
        %and3A_178 = arith.andi %get3A_169, %and3A_177 : vector<16xi32>
        %or3A_179 = arith.ori %shift_left3A_175, %and3A_178 : vector<16xi32>
        %swap3A_180 = arith.index_cast %add3A_166 : i32 to index
        %swap3A_181 = tpu.vector_load %arg8[%swap3A_180] {strides = array<i32>} : memref<20000xi32, #tpu.memory_space<vmem>>, vector<16xi32>,
        %swap3A_182 = vector.shape_cast %swap3A_181 : vector<16xi32> to vector<16xi32>
        %swap3A_183 = vector.shape_cast %or3A_179 : vector<16xi32> to vector<16xi32>
        tpu.vector_store %arg8[%swap3A_180], %swap3A_183 {strides = array<i32>} : memref<20000xi32, #tpu.memory_space<vmem>>, vector<16xi32>,
        %mul3A_184 = arith.constant 160 : i32
        %mul3A_185 = arith.muli %scan3A_41, %mul3A_184 : i32
        %add3A_186 = arith.constant 112 : i32
        %add3A_187 = arith.addi %mul3A_185, %add3A_186 : i32
        %get3A_188 = arith.index_cast %add3A_187 : i32 to index
        %get3A_189 = tpu.vector_load %arg7[%get3A_188] {strides = array<i32>} : memref<20000xi32, #tpu.memory_space<vmem>>, vector<16xi32>,
        %get3A_190 = vector.shape_cast %get3A_189 : vector<16xi32> to vector<16xi32>
        %get3A_191 = arith.index_cast %add3A_187 : i32 to index
        %get3A_192 = tpu.vector_load %arg8[%get3A_191] {strides = array<i32>} : memref<20000xi32, #tpu.memory_space<vmem>>, vector<16xi32>,
        %get3A_193 = vector.shape_cast %get3A_192 : vector<16xi32> to vector<16xi32>
        %shift_left3A_194 = arith.constant 4 : i32
        %shift_left3A_195 = vector.broadcast %shift_left3A_194 : i32 to vector<16xi32>
        %shift_left3A_196 = arith.shli %get3A_193, %shift_left3A_195 : vector<16xi32>
        %and3A_197 = arith.constant 15 : i32
        %and3A_198 = vector.broadcast %and3A_197 : i32 to vector<16xi32>
        %and3A_199 = arith.andi %get3A_190, %and3A_198 : vector<16xi32>
        %or3A_200 = arith.ori %shift_left3A_196, %and3A_199 : vector<16xi32>
        %swap3A_201 = arith.index_cast %add3A_187 : i32 to index
        %swap3A_202 = tpu.vector_load %arg8[%swap3A_201] {strides = array<i32>} : memref<20000xi32, #tpu.memory_space<vmem>>, vector<16xi32>,
        %swap3A_203 = vector.shape_cast %swap3A_202 : vector<16xi32> to vector<16xi32>
        %swap3A_204 = vector.shape_cast %or3A_200 : vector<16xi32> to vector<16xi32>
        tpu.vector_store %arg8[%swap3A_201], %swap3A_204 {strides = array<i32>} : memref<20000xi32, #tpu.memory_space<vmem>>, vector<16xi32>,
        %mul3A_205 = arith.constant 160 : i32
        %mul3A_206 = arith.muli %scan3A_41, %mul3A_205 : i32
        %add3A_207 = arith.constant 128 : i32
        %add3A_208 = arith.addi %mul3A_206, %add3A_207 : i32
        %get3A_209 = arith.index_cast %add3A_208 : i32 to index
        %get3A_210 = tpu.vector_load %arg7[%get3A_209] {strides = array<i32>} : memref<20000xi32, #tpu.memory_space<vmem>>, vector<16xi32>,
        %get3A_211 = vector.shape_cast %get3A_210 : vector<16xi32> to vector<16xi32>
        %get3A_212 = arith.index_cast %add3A_208 : i32 to index
        %get3A_213 = tpu.vector_load %arg8[%get3A_212] {strides = array<i32>} : memref<20000xi32, #tpu.memory_space<vmem>>, vector<16xi32>,
        %get3A_214 = vector.shape_cast %get3A_213 : vector<16xi32> to vector<16xi32>
        %shift_left3A_215 = arith.constant 4 : i32
        %shift_left3A_216 = vector.broadcast %shift_left3A_215 : i32 to vector<16xi32>
        %shift_left3A_217 = arith.shli %get3A_214, %shift_left3A_216 : vector<16xi32>
        %and3A_218 = arith.constant 15 : i32
        %and3A_219 = vector.broadcast %and3A_218 : i32 to vector<16xi32>
        %and3A_220 = arith.andi %get3A_211, %and3A_219 : vector<16xi32>
        %or3A_221 = arith.ori %shift_left3A_217, %and3A_220 : vector<16xi32>
        %swap3A_222 = arith.index_cast %add3A_208 : i32 to index
        %swap3A_223 = tpu.vector_load %arg8[%swap3A_222] {strides = array<i32>} : memref<20000xi32, #tpu.memory_space<vmem>>, vector<16xi32>,
        %swap3A_224 = vector.shape_cast %swap3A_223 : vector<16xi32> to vector<16xi32>
        %swap3A_225 = vector.shape_cast %or3A_221 : vector<16xi32> to vector<16xi32>
        tpu.vector_store %arg8[%swap3A_222], %swap3A_225 {strides = array<i32>} : memref<20000xi32, #tpu.memory_space<vmem>>, vector<16xi32>,
        %mul3A_226 = arith.constant 160 : i32
        %mul3A_227 = arith.muli %scan3A_41, %mul3A_226 : i32
        %add3A_228 = arith.constant 144 : i32
        %add3A_229 = arith.addi %mul3A_227, %add3A_228 : i32
        %get3A_230 = arith.index_cast %add3A_229 : i32 to index
        %get3A_231 = tpu.vector_load %arg7[%get3A_230] {strides = array<i32>} : memref<20000xi32, #tpu.memory_space<vmem>>, vector<16xi32>,
        %get3A_232 = vector.shape_cast %get3A_231 : vector<16xi32> to vector<16xi32>
        %get3A_233 = arith.index_cast %add3A_229 : i32 to index
        %get3A_234 = tpu.vector_load %arg8[%get3A_233] {strides = array<i32>} : memref<20000xi32, #tpu.memory_space<vmem>>, vector<16xi32>,
        %get3A_235 = vector.shape_cast %get3A_234 : vector<16xi32> to vector<16xi32>
        %shift_left3A_236 = arith.constant 4 : i32
        %shift_left3A_237 = vector.broadcast %shift_left3A_236 : i32 to vector<16xi32>
        %shift_left3A_238 = arith.shli %get3A_235, %shift_left3A_237 : vector<16xi32>
        %and3A_239 = arith.constant 15 : i32
        %and3A_240 = vector.broadcast %and3A_239 : i32 to vector<16xi32>
        %and3A_241 = arith.andi %get3A_232, %and3A_240 : vector<16xi32>
        %or3A_242 = arith.ori %shift_left3A_238, %and3A_241 : vector<16xi32>
        %swap3A_243 = arith.index_cast %add3A_229 : i32 to index
        %swap3A_244 = tpu.vector_load %arg8[%swap3A_243] {strides = array<i32>} : memref<20000xi32, #tpu.memory_space<vmem>>, vector<16xi32>,
        %swap3A_245 = vector.shape_cast %swap3A_244 : vector<16xi32> to vector<16xi32>
        %swap3A_246 = vector.shape_cast %or3A_242 : vector<16xi32> to vector<16xi32>
        tpu.vector_store %arg8[%swap3A_243], %swap3A_246 {strides = array<i32>} : memref<20000xi32, #tpu.memory_space<vmem>>, vector<16xi32>,
      }
      %scan3A_40 = arith.constant 125 : i32
      "tpu.region"() ({
        %run_scoped3A = tpu.sem_alloc : memref<!tpu.dma_semaphore, #tpu.memory_space<semaphore_mem>>
        %dma_start3A_41 = arith.constant 0 : i32
        %dma_start3A_42 = tpu.memref_slice %arg11[%dma_start3A_41] : memref<160000xf32, #tpu.memory_space<vmem_shared>> -> memref<160000xf32, #tpu.memory_space<vmem_shared>>
        tpu.enqueue_indirect_dma source(%arg9 : memref<20000xf32, #tpu.memory_space<vmem>>) target(%dma_start3A_42 : memref<160000xf32, #tpu.memory_space<vmem_shared>>) offsets(%arg8 : memref<20000xi32, #tpu.memory_space<vmem>>) semaphore(%run_scoped3A : memref<!tpu.dma_semaphore, #tpu.memory_space<semaphore_mem>>) {add = true}
        %dma_wait3A_43 = arith.constant 0 : i32
        %dma_wait3A_44 = tpu.memref_slice %arg11[%dma_wait3A_43] : memref<160000xf32, #tpu.memory_space<vmem_shared>> -> memref<160000xf32, #tpu.memory_space<vmem_shared>>
        tpu.wait_indirect_dma semaphore(%run_scoped3A : memref<!tpu.dma_semaphore, #tpu.memory_space<semaphore_mem>>) src(%arg9 : memref<20000xf32, #tpu.memory_space<vmem>>) dst(%dma_wait3A_44 : memref<160000xf32, #tpu.memory_space<vmem_shared>>)
        tpu.yield
      }) : () -> ()
    } else {
    }
    %eq3A_3 = arith.constant 1 : i32
    %eq3A_4 = arith.cmpi eq, %arg0, %eq3A_3 : i32
    %convert_element_type3A_5 = arith.extui %eq3A_4 : i1 to i32
    %cond3A_6 = arith.constant 0 : i32
    %cond3A_7 = arith.cmpi ne, %convert_element_type3A_5, %cond3A_6 : i32
    scf.if %cond3A_7 {
      %dma_start3A = tpu.memref_slice %arg4[%mul3A_0] : memref<640000xi32, #tpu.memory_space<hbm>> -> memref<20000xi32, #tpu.memory_space<hbm>>
      %dma_start3A_14 = tpu.memref_slice %arg4[%mul3A_0] : memref<640000xi32, #tpu.memory_space<hbm>> -> memref<20000xi32, #tpu.memory_space<hbm>>
      tpu.enqueue_dma source(%dma_start3A_14 : memref<20000xi32, #tpu.memory_space<hbm>>) target(%arg7 : memref<20000xi32, #tpu.memory_space<vmem>>) target_semaphore(%arg12 : memref<!tpu.dma_semaphore, #tpu.memory_space<semaphore_mem>>)
      %add3A_15 = arith.constant 320000 : i32
      %add3A_16 = arith.addi %add3A_15, %mul3A_0 : i32
      %dma_start3A_17 = tpu.memref_slice %arg4[%add3A_16] : memref<640000xi32, #tpu.memory_space<hbm>> -> memref<20000xi32, #tpu.memory_space<hbm>>
      %dma_start3A_18 = tpu.memref_slice %arg4[%add3A_16] : memref<640000xi32, #tpu.memory_space<hbm>> -> memref<20000xi32, #tpu.memory_space<hbm>>
      tpu.enqueue_dma source(%dma_start3A_18 : memref<20000xi32, #tpu.memory_space<hbm>>) target(%arg8 : memref<20000xi32, #tpu.memory_space<vmem>>) target_semaphore(%arg12 : memref<!tpu.dma_semaphore, #tpu.memory_space<semaphore_mem>>)
      %dma_start3A_19 = tpu.memref_slice %arg5[%mul3A_0] : memref<320000xf32, #tpu.memory_space<hbm>> -> memref<20000xf32, #tpu.memory_space<hbm>>
      %dma_start3A_20 = tpu.memref_slice %arg5[%mul3A_0] : memref<320000xf32, #tpu.memory_space<hbm>> -> memref<20000xf32, #tpu.memory_space<hbm>>
      tpu.enqueue_dma source(%dma_start3A_20 : memref<20000xf32, #tpu.memory_space<hbm>>) target(%arg9 : memref<20000xf32, #tpu.memory_space<vmem>>) target_semaphore(%arg12 : memref<!tpu.dma_semaphore, #tpu.memory_space<semaphore_mem>>)
      %broadcast_in_dim3A = arith.constant 0.000000e+00 : f32
      %broadcast_in_dim3A_21 = vector.broadcast %broadcast_in_dim3A : f32 to vector<16xf32>
      %scan3A = arith.constant 0 : i32
      %scan3A_22 = arith.constant 0 : i32
      %scan3A_23 = arith.constant 125 : i32
      %scan3A_24 = arith.addi %scan3A_22, %scan3A_23 : i32
      %scan3A_25 = arith.constant 1 : i32
      scf.for %scan3A_41 = %scan3A_22 to %scan3A_24 step %scan3A_25  : i32 {
        %mul3A_42 = arith.constant 80 : i32
        %mul3A_43 = arith.muli %scan3A_41, %mul3A_42 : i32
        %add3A_44 = arith.constant 0 : i32
        %add3A_45 = arith.addi %mul3A_43, %add3A_44 : i32
        %swap3A = arith.index_cast %add3A_45 : i32 to index
        %swap3A_46 = tpu.vector_load %arg10[%swap3A] {strides = array<i32>} : memref<10000xf32, #tpu.memory_space<vmem>>, vector<16xf32>,
        %swap3A_47 = vector.shape_cast %swap3A_46 : vector<16xf32> to vector<16xf32>
        %swap3A_48 = vector.shape_cast %broadcast_in_dim3A_21 : vector<16xf32> to vector<16xf32>
        tpu.vector_store %arg10[%swap3A], %swap3A_48 {strides = array<i32>} : memref<10000xf32, #tpu.memory_space<vmem>>, vector<16xf32>,
        %mul3A_49 = arith.constant 80 : i32
        %mul3A_50 = arith.muli %scan3A_41, %mul3A_49 : i32
        %add3A_51 = arith.constant 16 : i32
        %add3A_52 = arith.addi %mul3A_50, %add3A_51 : i32
        %swap3A_53 = arith.index_cast %add3A_52 : i32 to index
        %swap3A_54 = tpu.vector_load %arg10[%swap3A_53] {strides = array<i32>} : memref<10000xf32, #tpu.memory_space<vmem>>, vector<16xf32>,
        %swap3A_55 = vector.shape_cast %swap3A_54 : vector<16xf32> to vector<16xf32>
        %swap3A_56 = vector.shape_cast %broadcast_in_dim3A_21 : vector<16xf32> to vector<16xf32>
        tpu.vector_store %arg10[%swap3A_53], %swap3A_56 {strides = array<i32>} : memref<10000xf32, #tpu.memory_space<vmem>>, vector<16xf32>,
        %mul3A_57 = arith.constant 80 : i32
        %mul3A_58 = arith.muli %scan3A_41, %mul3A_57 : i32
        %add3A_59 = arith.constant 32 : i32
        %add3A_60 = arith.addi %mul3A_58, %add3A_59 : i32
        %swap3A_61 = arith.index_cast %add3A_60 : i32 to index
        %swap3A_62 = tpu.vector_load %arg10[%swap3A_61] {strides = array<i32>} : memref<10000xf32, #tpu.memory_space<vmem>>, vector<16xf32>,
        %swap3A_63 = vector.shape_cast %swap3A_62 : vector<16xf32> to vector<16xf32>
        %swap3A_64 = vector.shape_cast %broadcast_in_dim3A_21 : vector<16xf32> to vector<16xf32>
        tpu.vector_store %arg10[%swap3A_61], %swap3A_64 {strides = array<i32>} : memref<10000xf32, #tpu.memory_space<vmem>>, vector<16xf32>,
        %mul3A_65 = arith.constant 80 : i32
        %mul3A_66 = arith.muli %scan3A_41, %mul3A_65 : i32
        %add3A_67 = arith.constant 48 : i32
        %add3A_68 = arith.addi %mul3A_66, %add3A_67 : i32
        %swap3A_69 = arith.index_cast %add3A_68 : i32 to index
        %swap3A_70 = tpu.vector_load %arg10[%swap3A_69] {strides = array<i32>} : memref<10000xf32, #tpu.memory_space<vmem>>, vector<16xf32>,
        %swap3A_71 = vector.shape_cast %swap3A_70 : vector<16xf32> to vector<16xf32>
        %swap3A_72 = vector.shape_cast %broadcast_in_dim3A_21 : vector<16xf32> to vector<16xf32>
        tpu.vector_store %arg10[%swap3A_69], %swap3A_72 {strides = array<i32>} : memref<10000xf32, #tpu.memory_space<vmem>>, vector<16xf32>,
        %mul3A_73 = arith.constant 80 : i32
        %mul3A_74 = arith.muli %scan3A_41, %mul3A_73 : i32
        %add3A_75 = arith.constant 64 : i32
        %add3A_76 = arith.addi %mul3A_74, %add3A_75 : i32
        %swap3A_77 = arith.index_cast %add3A_76 : i32 to index
        %swap3A_78 = tpu.vector_load %arg10[%swap3A_77] {strides = array<i32>} : memref<10000xf32, #tpu.memory_space<vmem>>, vector<16xf32>,
        %swap3A_79 = vector.shape_cast %swap3A_78 : vector<16xf32> to vector<16xf32>
        %swap3A_80 = vector.shape_cast %broadcast_in_dim3A_21 : vector<16xf32> to vector<16xf32>
        tpu.vector_store %arg10[%swap3A_77], %swap3A_80 {strides = array<i32>} : memref<10000xf32, #tpu.memory_space<vmem>>, vector<16xf32>,
      }
      %scan3A_26 = arith.constant 125 : i32
      %mul3A_27 = arith.constant 10000 : i32
      %mul3A_28 = arith.muli %arg1, %mul3A_27 : i32
      "tpu.region"() ({
        %run_scoped3A = tpu.sem_alloc : memref<!tpu.dma_semaphore, #tpu.memory_space<semaphore_mem>>
        %dma_start3A_41 = tpu.memref_slice %arg11[%mul3A_28] : memref<160000xf32, #tpu.memory_space<vmem_shared>> -> memref<10000xf32, #tpu.memory_space<vmem_shared>>
        %dma_start3A_42 = tpu.memref_slice %arg11[%mul3A_28] : memref<160000xf32, #tpu.memory_space<vmem_shared>> -> memref<10000xf32, #tpu.memory_space<vmem_shared>>
        tpu.enqueue_dma source(%arg10 : memref<10000xf32, #tpu.memory_space<vmem>>) target(%dma_start3A_42 : memref<10000xf32, #tpu.memory_space<vmem_shared>>) target_semaphore(%run_scoped3A : memref<!tpu.dma_semaphore, #tpu.memory_space<semaphore_mem>>)
        %dma_wait3A_43 = tpu.memref_slice %arg11[%mul3A_28] : memref<160000xf32, #tpu.memory_space<vmem_shared>> -> memref<10000xf32, #tpu.memory_space<vmem_shared>>
        %dma_wait3A_44 = tpu.memref_slice %arg11[%mul3A_28] : memref<160000xf32, #tpu.memory_space<vmem_shared>> -> memref<10000xf32, #tpu.memory_space<vmem_shared>>
        tpu.wait_dma2 semaphore(%run_scoped3A : memref<!tpu.dma_semaphore, #tpu.memory_space<semaphore_mem>>) src(%arg10 : memref<10000xf32, #tpu.memory_space<vmem>>) dst(%dma_wait3A_44 : memref<10000xf32, #tpu.memory_space<vmem_shared>>)
        tpu.yield
      }) : () -> ()
      %barrier3A_29 = arith.constant 0 : index
      tpu.barrier barrier_id(%barrier3A_29)
      %dma_wait3A = tpu.memref_slice %arg4[%mul3A_0] : memref<640000xi32, #tpu.memory_space<hbm>> -> memref<20000xi32, #tpu.memory_space<hbm>>
      %dma_wait3A_30 = tpu.memref_slice %arg4[%mul3A_0] : memref<640000xi32, #tpu.memory_space<hbm>> -> memref<20000xi32, #tpu.memory_space<hbm>>
      tpu.wait_dma2 semaphore(%arg12 : memref<!tpu.dma_semaphore, #tpu.memory_space<semaphore_mem>>) src(%dma_wait3A_30 : memref<20000xi32, #tpu.memory_space<hbm>>) dst(%arg7 : memref<20000xi32, #tpu.memory_space<vmem>>)
      %dma_wait3A_31 = tpu.memref_slice %arg4[%add3A_16] : memref<640000xi32, #tpu.memory_space<hbm>> -> memref<20000xi32, #tpu.memory_space<hbm>>
      %dma_wait3A_32 = tpu.memref_slice %arg4[%add3A_16] : memref<640000xi32, #tpu.memory_space<hbm>> -> memref<20000xi32, #tpu.memory_space<hbm>>
      tpu.wait_dma2 semaphore(%arg12 : memref<!tpu.dma_semaphore, #tpu.memory_space<semaphore_mem>>) src(%dma_wait3A_32 : memref<20000xi32, #tpu.memory_space<hbm>>) dst(%arg8 : memref<20000xi32, #tpu.memory_space<vmem>>)
      %dma_wait3A_33 = tpu.memref_slice %arg5[%mul3A_0] : memref<320000xf32, #tpu.memory_space<hbm>> -> memref<20000xf32, #tpu.memory_space<hbm>>
      %dma_wait3A_34 = tpu.memref_slice %arg5[%mul3A_0] : memref<320000xf32, #tpu.memory_space<hbm>> -> memref<20000xf32, #tpu.memory_space<hbm>>
      tpu.wait_dma2 semaphore(%arg12 : memref<!tpu.dma_semaphore, #tpu.memory_space<semaphore_mem>>) src(%dma_wait3A_34 : memref<20000xf32, #tpu.memory_space<hbm>>) dst(%arg9 : memref<20000xf32, #tpu.memory_space<vmem>>)
      %scan3A_35 = arith.constant 0 : i32
      %scan3A_36 = arith.constant 0 : i32
      %scan3A_37 = arith.constant 125 : i32
      %scan3A_38 = arith.addi %scan3A_36, %scan3A_37 : i32
      %scan3A_39 = arith.constant 1 : i32
      scf.for %scan3A_41 = %scan3A_36 to %scan3A_38 step %scan3A_39  : i32 {
        %mul3A_42 = arith.constant 160 : i32
        %mul3A_43 = arith.muli %scan3A_41, %mul3A_42 : i32
        %add3A_44 = arith.constant 0 : i32
        %add3A_45 = arith.addi %mul3A_43, %add3A_44 : i32
        %get3A = arith.index_cast %add3A_45 : i32 to index
        %get3A_46 = tpu.vector_load %arg7[%get3A] {strides = array<i32>} : memref<20000xi32, #tpu.memory_space<vmem>>, vector<16xi32>,
        %get3A_47 = vector.shape_cast %get3A_46 : vector<16xi32> to vector<16xi32>
        %get3A_48 = arith.index_cast %add3A_45 : i32 to index
        %get3A_49 = tpu.vector_load %arg8[%get3A_48] {strides = array<i32>} : memref<20000xi32, #tpu.memory_space<vmem>>, vector<16xi32>,
        %get3A_50 = vector.shape_cast %get3A_49 : vector<16xi32> to vector<16xi32>
        %shift_left3A = arith.constant 4 : i32
        %shift_left3A_51 = vector.broadcast %shift_left3A : i32 to vector<16xi32>
        %shift_left3A_52 = arith.shli %get3A_50, %shift_left3A_51 : vector<16xi32>
        %and3A = arith.constant 15 : i32
        %and3A_53 = vector.broadcast %and3A : i32 to vector<16xi32>
        %and3A_54 = arith.andi %get3A_47, %and3A_53 : vector<16xi32>
        %or3A = arith.ori %shift_left3A_52, %and3A_54 : vector<16xi32>
        %swap3A = arith.index_cast %add3A_45 : i32 to index
        %swap3A_55 = tpu.vector_load %arg8[%swap3A] {strides = array<i32>} : memref<20000xi32, #tpu.memory_space<vmem>>, vector<16xi32>,
        %swap3A_56 = vector.shape_cast %swap3A_55 : vector<16xi32> to vector<16xi32>
        %swap3A_57 = vector.shape_cast %or3A : vector<16xi32> to vector<16xi32>
        tpu.vector_store %arg8[%swap3A], %swap3A_57 {strides = array<i32>} : memref<20000xi32, #tpu.memory_space<vmem>>, vector<16xi32>,
        %mul3A_58 = arith.constant 160 : i32
        %mul3A_59 = arith.muli %scan3A_41, %mul3A_58 : i32
        %add3A_60 = arith.constant 16 : i32
        %add3A_61 = arith.addi %mul3A_59, %add3A_60 : i32
        %get3A_62 = arith.index_cast %add3A_61 : i32 to index
        %get3A_63 = tpu.vector_load %arg7[%get3A_62] {strides = array<i32>} : memref<20000xi32, #tpu.memory_space<vmem>>, vector<16xi32>,
        %get3A_64 = vector.shape_cast %get3A_63 : vector<16xi32> to vector<16xi32>
        %get3A_65 = arith.index_cast %add3A_61 : i32 to index
        %get3A_66 = tpu.vector_load %arg8[%get3A_65] {strides = array<i32>} : memref<20000xi32, #tpu.memory_space<vmem>>, vector<16xi32>,
        %get3A_67 = vector.shape_cast %get3A_66 : vector<16xi32> to vector<16xi32>
        %shift_left3A_68 = arith.constant 4 : i32
        %shift_left3A_69 = vector.broadcast %shift_left3A_68 : i32 to vector<16xi32>
        %shift_left3A_70 = arith.shli %get3A_67, %shift_left3A_69 : vector<16xi32>
        %and3A_71 = arith.constant 15 : i32
        %and3A_72 = vector.broadcast %and3A_71 : i32 to vector<16xi32>
        %and3A_73 = arith.andi %get3A_64, %and3A_72 : vector<16xi32>
        %or3A_74 = arith.ori %shift_left3A_70, %and3A_73 : vector<16xi32>
        %swap3A_75 = arith.index_cast %add3A_61 : i32 to index
        %swap3A_76 = tpu.vector_load %arg8[%swap3A_75] {strides = array<i32>} : memref<20000xi32, #tpu.memory_space<vmem>>, vector<16xi32>,
        %swap3A_77 = vector.shape_cast %swap3A_76 : vector<16xi32> to vector<16xi32>
        %swap3A_78 = vector.shape_cast %or3A_74 : vector<16xi32> to vector<16xi32>
        tpu.vector_store %arg8[%swap3A_75], %swap3A_78 {strides = array<i32>} : memref<20000xi32, #tpu.memory_space<vmem>>, vector<16xi32>,
        %mul3A_79 = arith.constant 160 : i32
        %mul3A_80 = arith.muli %scan3A_41, %mul3A_79 : i32
        %add3A_81 = arith.constant 32 : i32
        %add3A_82 = arith.addi %mul3A_80, %add3A_81 : i32
        %get3A_83 = arith.index_cast %add3A_82 : i32 to index
        %get3A_84 = tpu.vector_load %arg7[%get3A_83] {strides = array<i32>} : memref<20000xi32, #tpu.memory_space<vmem>>, vector<16xi32>,
        %get3A_85 = vector.shape_cast %get3A_84 : vector<16xi32> to vector<16xi32>
        %get3A_86 = arith.index_cast %add3A_82 : i32 to index
        %get3A_87 = tpu.vector_load %arg8[%get3A_86] {strides = array<i32>} : memref<20000xi32, #tpu.memory_space<vmem>>, vector<16xi32>,
        %get3A_88 = vector.shape_cast %get3A_87 : vector<16xi32> to vector<16xi32>
        %shift_left3A_89 = arith.constant 4 : i32
        %shift_left3A_90 = vector.broadcast %shift_left3A_89 : i32 to vector<16xi32>
        %shift_left3A_91 = arith.shli %get3A_88, %shift_left3A_90 : vector<16xi32>
        %and3A_92 = arith.constant 15 : i32
        %and3A_93 = vector.broadcast %and3A_92 : i32 to vector<16xi32>
        %and3A_94 = arith.andi %get3A_85, %and3A_93 : vector<16xi32>
        %or3A_95 = arith.ori %shift_left3A_91, %and3A_94 : vector<16xi32>
        %swap3A_96 = arith.index_cast %add3A_82 : i32 to index
        %swap3A_97 = tpu.vector_load %arg8[%swap3A_96] {strides = array<i32>} : memref<20000xi32, #tpu.memory_space<vmem>>, vector<16xi32>,
        %swap3A_98 = vector.shape_cast %swap3A_97 : vector<16xi32> to vector<16xi32>
        %swap3A_99 = vector.shape_cast %or3A_95 : vector<16xi32> to vector<16xi32>
        tpu.vector_store %arg8[%swap3A_96], %swap3A_99 {strides = array<i32>} : memref<20000xi32, #tpu.memory_space<vmem>>, vector<16xi32>,
        %mul3A_100 = arith.constant 160 : i32
        %mul3A_101 = arith.muli %scan3A_41, %mul3A_100 : i32
        %add3A_102 = arith.constant 48 : i32
        %add3A_103 = arith.addi %mul3A_101, %add3A_102 : i32
        %get3A_104 = arith.index_cast %add3A_103 : i32 to index
        %get3A_105 = tpu.vector_load %arg7[%get3A_104] {strides = array<i32>} : memref<20000xi32, #tpu.memory_space<vmem>>, vector<16xi32>,
        %get3A_106 = vector.shape_cast %get3A_105 : vector<16xi32> to vector<16xi32>
        %get3A_107 = arith.index_cast %add3A_103 : i32 to index
        %get3A_108 = tpu.vector_load %arg8[%get3A_107] {strides = array<i32>} : memref<20000xi32, #tpu.memory_space<vmem>>, vector<16xi32>,
        %get3A_109 = vector.shape_cast %get3A_108 : vector<16xi32> to vector<16xi32>
        %shift_left3A_110 = arith.constant 4 : i32
        %shift_left3A_111 = vector.broadcast %shift_left3A_110 : i32 to vector<16xi32>
        %shift_left3A_112 = arith.shli %get3A_109, %shift_left3A_111 : vector<16xi32>
        %and3A_113 = arith.constant 15 : i32
        %and3A_114 = vector.broadcast %and3A_113 : i32 to vector<16xi32>
        %and3A_115 = arith.andi %get3A_106, %and3A_114 : vector<16xi32>
        %or3A_116 = arith.ori %shift_left3A_112, %and3A_115 : vector<16xi32>
        %swap3A_117 = arith.index_cast %add3A_103 : i32 to index
        %swap3A_118 = tpu.vector_load %arg8[%swap3A_117] {strides = array<i32>} : memref<20000xi32, #tpu.memory_space<vmem>>, vector<16xi32>,
        %swap3A_119 = vector.shape_cast %swap3A_118 : vector<16xi32> to vector<16xi32>
        %swap3A_120 = vector.shape_cast %or3A_116 : vector<16xi32> to vector<16xi32>
        tpu.vector_store %arg8[%swap3A_117], %swap3A_120 {strides = array<i32>} : memref<20000xi32, #tpu.memory_space<vmem>>, vector<16xi32>,
        %mul3A_121 = arith.constant 160 : i32
        %mul3A_122 = arith.muli %scan3A_41, %mul3A_121 : i32
        %add3A_123 = arith.constant 64 : i32
        %add3A_124 = arith.addi %mul3A_122, %add3A_123 : i32
        %get3A_125 = arith.index_cast %add3A_124 : i32 to index
        %get3A_126 = tpu.vector_load %arg7[%get3A_125] {strides = array<i32>} : memref<20000xi32, #tpu.memory_space<vmem>>, vector<16xi32>,
        %get3A_127 = vector.shape_cast %get3A_126 : vector<16xi32> to vector<16xi32>
        %get3A_128 = arith.index_cast %add3A_124 : i32 to index
        %get3A_129 = tpu.vector_load %arg8[%get3A_128] {strides = array<i32>} : memref<20000xi32, #tpu.memory_space<vmem>>, vector<16xi32>,
        %get3A_130 = vector.shape_cast %get3A_129 : vector<16xi32> to vector<16xi32>
        %shift_left3A_131 = arith.constant 4 : i32
        %shift_left3A_132 = vector.broadcast %shift_left3A_131 : i32 to vector<16xi32>
        %shift_left3A_133 = arith.shli %get3A_130, %shift_left3A_132 : vector<16xi32>
        %and3A_134 = arith.constant 15 : i32
        %and3A_135 = vector.broadcast %and3A_134 : i32 to vector<16xi32>
        %and3A_136 = arith.andi %get3A_127, %and3A_135 : vector<16xi32>
        %or3A_137 = arith.ori %shift_left3A_133, %and3A_136 : vector<16xi32>
        %swap3A_138 = arith.index_cast %add3A_124 : i32 to index
        %swap3A_139 = tpu.vector_load %arg8[%swap3A_138] {strides = array<i32>} : memref<20000xi32, #tpu.memory_space<vmem>>, vector<16xi32>,
        %swap3A_140 = vector.shape_cast %swap3A_139 : vector<16xi32> to vector<16xi32>
        %swap3A_141 = vector.shape_cast %or3A_137 : vector<16xi32> to vector<16xi32>
        tpu.vector_store %arg8[%swap3A_138], %swap3A_141 {strides = array<i32>} : memref<20000xi32, #tpu.memory_space<vmem>>, vector<16xi32>,
        %mul3A_142 = arith.constant 160 : i32
        %mul3A_143 = arith.muli %scan3A_41, %mul3A_142 : i32
        %add3A_144 = arith.constant 80 : i32
        %add3A_145 = arith.addi %mul3A_143, %add3A_144 : i32
        %get3A_146 = arith.index_cast %add3A_145 : i32 to index
        %get3A_147 = tpu.vector_load %arg7[%get3A_146] {strides = array<i32>} : memref<20000xi32, #tpu.memory_space<vmem>>, vector<16xi32>,
        %get3A_148 = vector.shape_cast %get3A_147 : vector<16xi32> to vector<16xi32>
        %get3A_149 = arith.index_cast %add3A_145 : i32 to index
        %get3A_150 = tpu.vector_load %arg8[%get3A_149] {strides = array<i32>} : memref<20000xi32, #tpu.memory_space<vmem>>, vector<16xi32>,
        %get3A_151 = vector.shape_cast %get3A_150 : vector<16xi32> to vector<16xi32>
        %shift_left3A_152 = arith.constant 4 : i32
        %shift_left3A_153 = vector.broadcast %shift_left3A_152 : i32 to vector<16xi32>
        %shift_left3A_154 = arith.shli %get3A_151, %shift_left3A_153 : vector<16xi32>
        %and3A_155 = arith.constant 15 : i32
        %and3A_156 = vector.broadcast %and3A_155 : i32 to vector<16xi32>
        %and3A_157 = arith.andi %get3A_148, %and3A_156 : vector<16xi32>
        %or3A_158 = arith.ori %shift_left3A_154, %and3A_157 : vector<16xi32>
        %swap3A_159 = arith.index_cast %add3A_145 : i32 to index
        %swap3A_160 = tpu.vector_load %arg8[%swap3A_159] {strides = array<i32>} : memref<20000xi32, #tpu.memory_space<vmem>>, vector<16xi32>,
        %swap3A_161 = vector.shape_cast %swap3A_160 : vector<16xi32> to vector<16xi32>
        %swap3A_162 = vector.shape_cast %or3A_158 : vector<16xi32> to vector<16xi32>
        tpu.vector_store %arg8[%swap3A_159], %swap3A_162 {strides = array<i32>} : memref<20000xi32, #tpu.memory_space<vmem>>, vector<16xi32>,
        %mul3A_163 = arith.constant 160 : i32
        %mul3A_164 = arith.muli %scan3A_41, %mul3A_163 : i32
        %add3A_165 = arith.constant 96 : i32
        %add3A_166 = arith.addi %mul3A_164, %add3A_165 : i32
        %get3A_167 = arith.index_cast %add3A_166 : i32 to index
        %get3A_168 = tpu.vector_load %arg7[%get3A_167] {strides = array<i32>} : memref<20000xi32, #tpu.memory_space<vmem>>, vector<16xi32>,
        %get3A_169 = vector.shape_cast %get3A_168 : vector<16xi32> to vector<16xi32>
        %get3A_170 = arith.index_cast %add3A_166 : i32 to index
        %get3A_171 = tpu.vector_load %arg8[%get3A_170] {strides = array<i32>} : memref<20000xi32, #tpu.memory_space<vmem>>, vector<16xi32>,
        %get3A_172 = vector.shape_cast %get3A_171 : vector<16xi32> to vector<16xi32>
        %shift_left3A_173 = arith.constant 4 : i32
        %shift_left3A_174 = vector.broadcast %shift_left3A_173 : i32 to vector<16xi32>
        %shift_left3A_175 = arith.shli %get3A_172, %shift_left3A_174 : vector<16xi32>
        %and3A_176 = arith.constant 15 : i32
        %and3A_177 = vector.broadcast %and3A_176 : i32 to vector<16xi32>
        %and3A_178 = arith.andi %get3A_169, %and3A_177 : vector<16xi32>
        %or3A_179 = arith.ori %shift_left3A_175, %and3A_178 : vector<16xi32>
        %swap3A_180 = arith.index_cast %add3A_166 : i32 to index
        %swap3A_181 = tpu.vector_load %arg8[%swap3A_180] {strides = array<i32>} : memref<20000xi32, #tpu.memory_space<vmem>>, vector<16xi32>,
        %swap3A_182 = vector.shape_cast %swap3A_181 : vector<16xi32> to vector<16xi32>
        %swap3A_183 = vector.shape_cast %or3A_179 : vector<16xi32> to vector<16xi32>
        tpu.vector_store %arg8[%swap3A_180], %swap3A_183 {strides = array<i32>} : memref<20000xi32, #tpu.memory_space<vmem>>, vector<16xi32>,
        %mul3A_184 = arith.constant 160 : i32
        %mul3A_185 = arith.muli %scan3A_41, %mul3A_184 : i32
        %add3A_186 = arith.constant 112 : i32
        %add3A_187 = arith.addi %mul3A_185, %add3A_186 : i32
        %get3A_188 = arith.index_cast %add3A_187 : i32 to index
        %get3A_189 = tpu.vector_load %arg7[%get3A_188] {strides = array<i32>} : memref<20000xi32, #tpu.memory_space<vmem>>, vector<16xi32>,
        %get3A_190 = vector.shape_cast %get3A_189 : vector<16xi32> to vector<16xi32>
        %get3A_191 = arith.index_cast %add3A_187 : i32 to index
        %get3A_192 = tpu.vector_load %arg8[%get3A_191] {strides = array<i32>} : memref<20000xi32, #tpu.memory_space<vmem>>, vector<16xi32>,
        %get3A_193 = vector.shape_cast %get3A_192 : vector<16xi32> to vector<16xi32>
        %shift_left3A_194 = arith.constant 4 : i32
        %shift_left3A_195 = vector.broadcast %shift_left3A_194 : i32 to vector<16xi32>
        %shift_left3A_196 = arith.shli %get3A_193, %shift_left3A_195 : vector<16xi32>
        %and3A_197 = arith.constant 15 : i32
        %and3A_198 = vector.broadcast %and3A_197 : i32 to vector<16xi32>
        %and3A_199 = arith.andi %get3A_190, %and3A_198 : vector<16xi32>
        %or3A_200 = arith.ori %shift_left3A_196, %and3A_199 : vector<16xi32>
        %swap3A_201 = arith.index_cast %add3A_187 : i32 to index
        %swap3A_202 = tpu.vector_load %arg8[%swap3A_201] {strides = array<i32>} : memref<20000xi32, #tpu.memory_space<vmem>>, vector<16xi32>,
        %swap3A_203 = vector.shape_cast %swap3A_202 : vector<16xi32> to vector<16xi32>
        %swap3A_204 = vector.shape_cast %or3A_200 : vector<16xi32> to vector<16xi32>
        tpu.vector_store %arg8[%swap3A_201], %swap3A_204 {strides = array<i32>} : memref<20000xi32, #tpu.memory_space<vmem>>, vector<16xi32>,
        %mul3A_205 = arith.constant 160 : i32
        %mul3A_206 = arith.muli %scan3A_41, %mul3A_205 : i32
        %add3A_207 = arith.constant 128 : i32
        %add3A_208 = arith.addi %mul3A_206, %add3A_207 : i32
        %get3A_209 = arith.index_cast %add3A_208 : i32 to index
        %get3A_210 = tpu.vector_load %arg7[%get3A_209] {strides = array<i32>} : memref<20000xi32, #tpu.memory_space<vmem>>, vector<16xi32>,
        %get3A_211 = vector.shape_cast %get3A_210 : vector<16xi32> to vector<16xi32>
        %get3A_212 = arith.index_cast %add3A_208 : i32 to index
        %get3A_213 = tpu.vector_load %arg8[%get3A_212] {strides = array<i32>} : memref<20000xi32, #tpu.memory_space<vmem>>, vector<16xi32>,
        %get3A_214 = vector.shape_cast %get3A_213 : vector<16xi32> to vector<16xi32>
        %shift_left3A_215 = arith.constant 4 : i32
        %shift_left3A_216 = vector.broadcast %shift_left3A_215 : i32 to vector<16xi32>
        %shift_left3A_217 = arith.shli %get3A_214, %shift_left3A_216 : vector<16xi32>
        %and3A_218 = arith.constant 15 : i32
        %and3A_219 = vector.broadcast %and3A_218 : i32 to vector<16xi32>
        %and3A_220 = arith.andi %get3A_211, %and3A_219 : vector<16xi32>
        %or3A_221 = arith.ori %shift_left3A_217, %and3A_220 : vector<16xi32>
        %swap3A_222 = arith.index_cast %add3A_208 : i32 to index
        %swap3A_223 = tpu.vector_load %arg8[%swap3A_222] {strides = array<i32>} : memref<20000xi32, #tpu.memory_space<vmem>>, vector<16xi32>,
        %swap3A_224 = vector.shape_cast %swap3A_223 : vector<16xi32> to vector<16xi32>
        %swap3A_225 = vector.shape_cast %or3A_221 : vector<16xi32> to vector<16xi32>
        tpu.vector_store %arg8[%swap3A_222], %swap3A_225 {strides = array<i32>} : memref<20000xi32, #tpu.memory_space<vmem>>, vector<16xi32>,
        %mul3A_226 = arith.constant 160 : i32
        %mul3A_227 = arith.muli %scan3A_41, %mul3A_226 : i32
        %add3A_228 = arith.constant 144 : i32
        %add3A_229 = arith.addi %mul3A_227, %add3A_228 : i32
        %get3A_230 = arith.index_cast %add3A_229 : i32 to index
        %get3A_231 = tpu.vector_load %arg7[%get3A_230] {strides = array<i32>} : memref<20000xi32, #tpu.memory_space<vmem>>, vector<16xi32>,
        %get3A_232 = vector.shape_cast %get3A_231 : vector<16xi32> to vector<16xi32>
        %get3A_233 = arith.index_cast %add3A_229 : i32 to index
        %get3A_234 = tpu.vector_load %arg8[%get3A_233] {strides = array<i32>} : memref<20000xi32, #tpu.memory_space<vmem>>, vector<16xi32>,
        %get3A_235 = vector.shape_cast %get3A_234 : vector<16xi32> to vector<16xi32>
        %shift_left3A_236 = arith.constant 4 : i32
        %shift_left3A_237 = vector.broadcast %shift_left3A_236 : i32 to vector<16xi32>
        %shift_left3A_238 = arith.shli %get3A_235, %shift_left3A_237 : vector<16xi32>
        %and3A_239 = arith.constant 15 : i32
        %and3A_240 = vector.broadcast %and3A_239 : i32 to vector<16xi32>
        %and3A_241 = arith.andi %get3A_232, %and3A_240 : vector<16xi32>
        %or3A_242 = arith.ori %shift_left3A_238, %and3A_241 : vector<16xi32>
        %swap3A_243 = arith.index_cast %add3A_229 : i32 to index
        %swap3A_244 = tpu.vector_load %arg8[%swap3A_243] {strides = array<i32>} : memref<20000xi32, #tpu.memory_space<vmem>>, vector<16xi32>,
        %swap3A_245 = vector.shape_cast %swap3A_244 : vector<16xi32> to vector<16xi32>
        %swap3A_246 = vector.shape_cast %or3A_242 : vector<16xi32> to vector<16xi32>
        tpu.vector_store %arg8[%swap3A_243], %swap3A_246 {strides = array<i32>} : memref<20000xi32, #tpu.memory_space<vmem>>, vector<16xi32>,
      }
      %scan3A_40 = arith.constant 125 : i32
      "tpu.region"() ({
        %run_scoped3A = tpu.sem_alloc : memref<!tpu.dma_semaphore, #tpu.memory_space<semaphore_mem>>
        %dma_start3A_41 = arith.constant 0 : i32
        %dma_start3A_42 = tpu.memref_slice %arg11[%dma_start3A_41] : memref<160000xf32, #tpu.memory_space<vmem_shared>> -> memref<160000xf32, #tpu.memory_space<vmem_shared>>
        tpu.enqueue_indirect_dma source(%arg9 : memref<20000xf32, #tpu.memory_space<vmem>>) target(%dma_start3A_42 : memref<160000xf32, #tpu.memory_space<vmem_shared>>) offsets(%arg8 : memref<20000xi32, #tpu.memory_space<vmem>>) semaphore(%run_scoped3A : memref<!tpu.dma_semaphore, #tpu.memory_space<semaphore_mem>>) {add = true}
        %dma_wait3A_43 = arith.constant 0 : i32
        %dma_wait3A_44 = tpu.memref_slice %arg11[%dma_wait3A_43] : memref<160000xf32, #tpu.memory_space<vmem_shared>> -> memref<160000xf32, #tpu.memory_space<vmem_shared>>
        tpu.wait_indirect_dma semaphore(%run_scoped3A : memref<!tpu.dma_semaphore, #tpu.memory_space<semaphore_mem>>) src(%arg9 : memref<20000xf32, #tpu.memory_space<vmem>>) dst(%dma_wait3A_44 : memref<160000xf32, #tpu.memory_space<vmem_shared>>)
        tpu.yield
      }) : () -> ()
    } else {
    }
    %barrier3A = arith.constant 0 : index
    tpu.barrier barrier_id(%barrier3A)
    %mul3A_8 = arith.constant 10000 : i32
    %mul3A_9 = arith.muli %arg1, %mul3A_8 : i32
    "tpu.region"() ({
      %run_scoped3A = tpu.sem_alloc : memref<!tpu.dma_semaphore, #tpu.memory_space<semaphore_mem>>
      %dma_start3A = tpu.memref_slice %arg11[%mul3A_9] : memref<160000xf32, #tpu.memory_space<vmem_shared>> -> memref<10000xf32, #tpu.memory_space<vmem_shared>>
      %dma_start3A_14 = tpu.memref_slice %arg11[%mul3A_9] : memref<160000xf32, #tpu.memory_space<vmem_shared>> -> memref<10000xf32, #tpu.memory_space<vmem_shared>>
      tpu.enqueue_dma source(%dma_start3A_14 : memref<10000xf32, #tpu.memory_space<vmem_shared>>) target(%arg10 : memref<10000xf32, #tpu.memory_space<vmem>>) target_semaphore(%run_scoped3A : memref<!tpu.dma_semaphore, #tpu.memory_space<semaphore_mem>>)
      %dma_wait3A = tpu.memref_slice %arg11[%mul3A_9] : memref<160000xf32, #tpu.memory_space<vmem_shared>> -> memref<10000xf32, #tpu.memory_space<vmem_shared>>
      %dma_wait3A_15 = tpu.memref_slice %arg11[%mul3A_9] : memref<160000xf32, #tpu.memory_space<vmem_shared>> -> memref<10000xf32, #tpu.memory_space<vmem_shared>>
      tpu.wait_dma2 semaphore(%run_scoped3A : memref<!tpu.dma_semaphore, #tpu.memory_space<semaphore_mem>>) src(%dma_wait3A_15 : memref<10000xf32, #tpu.memory_space<vmem_shared>>) dst(%arg10 : memref<10000xf32, #tpu.memory_space<vmem>>)
      tpu.yield
    }) : () -> ()
    %mul3A_10 = arith.constant 160000 : i32
    %mul3A_11 = arith.muli %arg0, %mul3A_10 : i32
    %mul3A_12 = arith.constant 10000 : i32
    %mul3A_13 = arith.muli %arg1, %mul3A_12 : i32
    %add3A = arith.addi %mul3A_11, %mul3A_13 : i32
    "tpu.region"() ({
      %run_scoped3A = tpu.sem_alloc : memref<!tpu.dma_semaphore, #tpu.memory_space<semaphore_mem>>
      %dma_start3A = tpu.memref_slice %arg6[%add3A] : memref<320000xf32, #tpu.memory_space<hbm>> -> memref<10000xf32, #tpu.memory_space<hbm>>
      %dma_start3A_14 = tpu.memref_slice %arg6[%add3A] : memref<320000xf32, #tpu.memory_space<hbm>> -> memref<10000xf32, #tpu.memory_space<hbm>>
      tpu.enqueue_dma source(%arg10 : memref<10000xf32, #tpu.memory_space<vmem>>) target(%dma_start3A_14 : memref<10000xf32, #tpu.memory_space<hbm>>) target_semaphore(%run_scoped3A : memref<!tpu.dma_semaphore, #tpu.memory_space<semaphore_mem>>)
      %dma_wait3A = tpu.memref_slice %arg6[%add3A] : memref<320000xf32, #tpu.memory_space<hbm>> -> memref<10000xf32, #tpu.memory_space<hbm>>
      %dma_wait3A_15 = tpu.memref_slice %arg6[%add3A] : memref<320000xf32, #tpu.memory_space<hbm>> -> memref<10000xf32, #tpu.memory_space<hbm>>
      tpu.wait_dma2 semaphore(%run_scoped3A : memref<!tpu.dma_semaphore, #tpu.memory_space<semaphore_mem>>) src(%arg10 : memref<10000xf32, #tpu.memory_space<vmem>>) dst(%dma_wait3A_15 : memref<10000xf32, #tpu.memory_space<hbm>>)
      tpu.yield
    }) : () -> ()
    return
  }
}

module attributes {stable_mosaic.version = 14 : i64} {
  func.func @_tc_body(%arg0: i32, %arg1: memref<2000x128xf32, #tpu.memory_space<vmem>>, %arg2: memref<2000x128xf32, #tpu.memory_space<vmem>>, %arg3: memref<1x125x16x16xf32, #tpu.memory_space<vmem>>, %arg4: memref<1x125x16x16xf32, #tpu.memory_space<vmem>>, %arg5: memref<128x64xf32, #tpu.memory_space<vmem>>, %arg6: memref<64xf32, #tpu.memory_space<vmem>>, %arg7: memref<64x64xf32, #tpu.memory_space<vmem>>, %arg8: memref<1xf32, #tpu.memory_space<smem>>, %arg9: memref<1xf32, #tpu.memory_space<smem>>, %arg10: memref<1x125x1xf32, #tpu.memory_space<vmem>>, %arg11: memref<1x125x1xf32, #tpu.memory_space<vmem>>) attributes {dimension_semantics = [#tpu.dimension_semantics<arbitrary>], iteration_bounds = array<i64: 5>, scalar_prefetch = 0 : i64, scratch_operands = 0 : i64, tpu.core_type = #tpu.core_type<tc>, window_params = [{transform_indices = @transform_0, window_bounds = array<i64: 2000, 128>}, {transform_indices = @transform_1, window_bounds = array<i64: 2000, 128>}, {transform_indices = @transform_2, window_bounds = array<i64: 1, 125, 16, 16>}, {transform_indices = @transform_3, window_bounds = array<i64: 1, 125, 16, 16>}, {pipeline_mode = #tpu.pipeline_mode<synchronous>, transform_indices = @transform_4, window_bounds = array<i64: 128, 64>}, {pipeline_mode = #tpu.pipeline_mode<synchronous>, transform_indices = @transform_5, window_bounds = array<i64: 64>}, {pipeline_mode = #tpu.pipeline_mode<synchronous>, transform_indices = @transform_6, window_bounds = array<i64: 64, 64>}, {transform_indices = @transform_7, window_bounds = array<i64: 1>}, {transform_indices = @transform_8, window_bounds = array<i64: 1>}, {transform_indices = @transform_9, window_bounds = array<i64: 1, 125, 1>}, {transform_indices = @transform_10, window_bounds = array<i64: 1, 125, 1>}]} {
    %get3A = arith.constant 0 : index
    %get3A_0 = arith.constant 0 : index
    %get3A_1 = vector.load %arg5[%get3A, %get3A_0] : memref<128x64xf32, #tpu.memory_space<vmem>>, vector<128x64xf32>
    %get3A_2 = arith.constant 0 : index
    %get3A_3 = memref.load %arg8[%get3A_2] : memref<1xf32, #tpu.memory_space<smem>>
    %get3A_4 = arith.constant 0 : index
    %get3A_5 = vector.load %arg6[%get3A_4] : memref<64xf32, #tpu.memory_space<vmem>>, vector<64xf32>
    %get3A_6 = arith.constant 0 : index
    %get3A_7 = arith.constant 0 : index
    %get3A_8 = vector.load %arg1[%get3A_6, %get3A_7] : memref<2000x128xf32, #tpu.memory_space<vmem>>, vector<2000x128xf32>
    %get3A_9 = arith.constant 0 : index
    %get3A_10 = arith.constant 0 : index
    %get3A_11 = arith.constant 0 : index
    %get3A_12 = arith.constant 0 : index
    %get3A_13 = vector.load %arg3[%get3A_9, %get3A_10, %get3A_11, %get3A_12] : memref<1x125x16x16xf32, #tpu.memory_space<vmem>>, vector<1x125x16x16xf32>
    %reshape3A = vector.shape_cast %get3A_13 : vector<1x125x16x16xf32> to vector<125x16x16xf32>
    %dot_general3A = arith.constant dense<0.000000e+00> : vector<2000x64xf32>
    %dot_general3A_14 = tpu.matmul %get3A_8, %get3A_1, %dot_general3A {dimension_numbers = #tpu.dot_dimension_numbers<[1], [0], [0], [1], [0, 0, 1, 1], [], []>, transpose_lhs_hint = false} : vector<2000x128xf32>, vector<128x64xf32>, vector<2000x64xf32> -> vector<2000x64xf32>
    %reshape3A_15 = vector.shape_cast %dot_general3A_14 : vector<2000x64xf32> to vector<125x16x64xf32>
    %dot_general3A_16 = arith.constant dense<0.000000e+00> : vector<125x16x64xf32>
    %dot_general3A_17 = tpu.matmul %reshape3A, %reshape3A_15, %dot_general3A_16 {dimension_numbers = #tpu.dot_dimension_numbers<[2], [1], [1], [2], [0, 0, 0, 1, 1, 2], [0], [0]>, transpose_lhs_hint = false} : vector<125x16x16xf32>, vector<125x16x64xf32>, vector<125x16x64xf32> -> vector<125x16x64xf32>
    %broadcast_in_dim3A = vector.shape_cast %get3A_5 : vector<64xf32> to vector<1x1x64xf32>
    %add3A = vector.broadcast %broadcast_in_dim3A : vector<1x1x64xf32> to vector<125x16x64xf32>
    %add3A_18 = arith.addf %dot_general3A_17, %add3A : vector<125x16x64xf32>
    %ge3A = arith.constant 0.000000e+00 : f32
    %ge3A_19 = vector.broadcast %ge3A : f32 to vector<125x16x64xf32>
    %ge3A_20 = arith.cmpf oge, %add3A_18, %ge3A_19 : vector<125x16x64xf32>
    %mul3A = vector.broadcast %get3A_3 : f32 to vector<125x16x64xf32>
    %mul3A_21 = arith.mulf %mul3A, %add3A_18 : vector<125x16x64xf32>
    %select_n3A = arith.select %ge3A_20, %add3A_18, %mul3A_21 : vector<125x16x64xi1>, vector<125x16x64xf32>
    %slice3A = vector.extract_strided_slice %select_n3A {offsets = [0, 15, 0], sizes = [125, 1, 64], strides = [1, 1, 1]} : vector<125x16x64xf32> to vector<125x1x64xf32>
    %squeeze3A = vector.shape_cast %slice3A : vector<125x1x64xf32> to vector<125x64xf32>
    %reduce_sum3A = arith.constant dense<0.000000e+00> : vector<125x64xf32>
    %reduce_sum3A_22 = vector.multi_reduction <add>, %select_n3A, %reduce_sum3A [1] : vector<125x16x64xf32> to vector<125x64xf32>
    %sub3A = arith.subf %reduce_sum3A_22, %squeeze3A : vector<125x64xf32>
    %mul3A_23 = arith.constant 0.0666666701 : f32
    %mul3A_24 = vector.broadcast %mul3A_23 : f32 to vector<125x64xf32>
    %mul3A_25 = arith.mulf %sub3A, %mul3A_24 : vector<125x64xf32>
    %mul3A_26 = arith.mulf %mul3A_25, %mul3A_25 : vector<125x64xf32>
    %reduce_sum3A_27 = arith.constant dense<0.000000e+00> : vector<125xf32>
    %reduce_sum3A_28 = vector.multi_reduction <add>, %mul3A_26, %reduce_sum3A_27 [1] : vector<125x64xf32> to vector<125xf32>
    %broadcast_in_dim3A_29 = vector.shape_cast %reduce_sum3A_28 : vector<125xf32> to vector<125x1xf32>
    %sqrt3A = math.sqrt %broadcast_in_dim3A_29 : vector<125x1xf32>
    %max3A = arith.constant 9.99999996E-13 : f32
    %max3A_30 = vector.broadcast %max3A : f32 to vector<125x1xf32>
    %max3A_31 = arith.maximumf %sqrt3A, %max3A_30 : vector<125x1xf32>
    %div3A = vector.broadcast %max3A_31 : vector<125x1xf32> to vector<125x64xf32>
    %div3A_32 = arith.divf %mul3A_25, %div3A : vector<125x64xf32>
    %mul3A_33 = arith.mulf %squeeze3A, %squeeze3A : vector<125x64xf32>
    %reduce_sum3A_34 = arith.constant dense<0.000000e+00> : vector<125xf32>
    %reduce_sum3A_35 = vector.multi_reduction <add>, %mul3A_33, %reduce_sum3A_34 [1] : vector<125x64xf32> to vector<125xf32>
    %broadcast_in_dim3A_36 = vector.shape_cast %reduce_sum3A_35 : vector<125xf32> to vector<125x1xf32>
    %sqrt3A_37 = math.sqrt %broadcast_in_dim3A_36 : vector<125x1xf32>
    %max3A_38 = arith.constant 9.99999996E-13 : f32
    %max3A_39 = vector.broadcast %max3A_38 : f32 to vector<125x1xf32>
    %max3A_40 = arith.maximumf %sqrt3A_37, %max3A_39 : vector<125x1xf32>
    %div3A_41 = vector.broadcast %max3A_40 : vector<125x1xf32> to vector<125x64xf32>
    %div3A_42 = arith.divf %squeeze3A, %div3A_41 : vector<125x64xf32>
    %get3A_43 = arith.constant 0 : index
    %get3A_44 = arith.constant 0 : index
    %get3A_45 = vector.load %arg2[%get3A_43, %get3A_44] : memref<2000x128xf32, #tpu.memory_space<vmem>>, vector<2000x128xf32>
    %get3A_46 = arith.constant 0 : index
    %get3A_47 = arith.constant 0 : index
    %get3A_48 = arith.constant 0 : index
    %get3A_49 = arith.constant 0 : index
    %get3A_50 = vector.load %arg4[%get3A_46, %get3A_47, %get3A_48, %get3A_49] : memref<1x125x16x16xf32, #tpu.memory_space<vmem>>, vector<1x125x16x16xf32>
    %reshape3A_51 = vector.shape_cast %get3A_50 : vector<1x125x16x16xf32> to vector<125x16x16xf32>
    %dot_general3A_52 = arith.constant dense<0.000000e+00> : vector<2000x64xf32>
    %dot_general3A_53 = tpu.matmul %get3A_45, %get3A_1, %dot_general3A_52 {dimension_numbers = #tpu.dot_dimension_numbers<[1], [0], [0], [1], [0, 0, 1, 1], [], []>, transpose_lhs_hint = false} : vector<2000x128xf32>, vector<128x64xf32>, vector<2000x64xf32> -> vector<2000x64xf32>
    %reshape3A_54 = vector.shape_cast %dot_general3A_53 : vector<2000x64xf32> to vector<125x16x64xf32>
    %dot_general3A_55 = arith.constant dense<0.000000e+00> : vector<125x16x64xf32>
    %dot_general3A_56 = tpu.matmul %reshape3A_51, %reshape3A_54, %dot_general3A_55 {dimension_numbers = #tpu.dot_dimension_numbers<[2], [1], [1], [2], [0, 0, 0, 1, 1, 2], [0], [0]>, transpose_lhs_hint = false} : vector<125x16x16xf32>, vector<125x16x64xf32>, vector<125x16x64xf32> -> vector<125x16x64xf32>
    %broadcast_in_dim3A_57 = vector.shape_cast %get3A_5 : vector<64xf32> to vector<1x1x64xf32>
    %add3A_58 = vector.broadcast %broadcast_in_dim3A_57 : vector<1x1x64xf32> to vector<125x16x64xf32>
    %add3A_59 = arith.addf %dot_general3A_56, %add3A_58 : vector<125x16x64xf32>
    %ge3A_60 = arith.constant 0.000000e+00 : f32
    %ge3A_61 = vector.broadcast %ge3A_60 : f32 to vector<125x16x64xf32>
    %ge3A_62 = arith.cmpf oge, %add3A_59, %ge3A_61 : vector<125x16x64xf32>
    %mul3A_63 = vector.broadcast %get3A_3 : f32 to vector<125x16x64xf32>
    %mul3A_64 = arith.mulf %mul3A_63, %add3A_59 : vector<125x16x64xf32>
    %select_n3A_65 = arith.select %ge3A_62, %add3A_59, %mul3A_64 : vector<125x16x64xi1>, vector<125x16x64xf32>
    %slice3A_66 = vector.extract_strided_slice %select_n3A_65 {offsets = [0, 15, 0], sizes = [125, 1, 64], strides = [1, 1, 1]} : vector<125x16x64xf32> to vector<125x1x64xf32>
    %squeeze3A_67 = vector.shape_cast %slice3A_66 : vector<125x1x64xf32> to vector<125x64xf32>
    %reduce_sum3A_68 = arith.constant dense<0.000000e+00> : vector<125x64xf32>
    %reduce_sum3A_69 = vector.multi_reduction <add>, %select_n3A_65, %reduce_sum3A_68 [1] : vector<125x16x64xf32> to vector<125x64xf32>
    %sub3A_70 = arith.subf %reduce_sum3A_69, %squeeze3A_67 : vector<125x64xf32>
    %mul3A_71 = arith.constant 0.0666666701 : f32
    %mul3A_72 = vector.broadcast %mul3A_71 : f32 to vector<125x64xf32>
    %mul3A_73 = arith.mulf %sub3A_70, %mul3A_72 : vector<125x64xf32>
    %mul3A_74 = arith.mulf %mul3A_73, %mul3A_73 : vector<125x64xf32>
    %reduce_sum3A_75 = arith.constant dense<0.000000e+00> : vector<125xf32>
    %reduce_sum3A_76 = vector.multi_reduction <add>, %mul3A_74, %reduce_sum3A_75 [1] : vector<125x64xf32> to vector<125xf32>
    %broadcast_in_dim3A_77 = vector.shape_cast %reduce_sum3A_76 : vector<125xf32> to vector<125x1xf32>
    %sqrt3A_78 = math.sqrt %broadcast_in_dim3A_77 : vector<125x1xf32>
    %max3A_79 = arith.constant 9.99999996E-13 : f32
    %max3A_80 = vector.broadcast %max3A_79 : f32 to vector<125x1xf32>
    %max3A_81 = arith.maximumf %sqrt3A_78, %max3A_80 : vector<125x1xf32>
    %div3A_82 = vector.broadcast %max3A_81 : vector<125x1xf32> to vector<125x64xf32>
    %div3A_83 = arith.divf %mul3A_73, %div3A_82 : vector<125x64xf32>
    %get3A_84 = arith.constant 0 : index
    %get3A_85 = arith.constant 0 : index
    %get3A_86 = vector.load %arg7[%get3A_84, %get3A_85] : memref<64x64xf32, #tpu.memory_space<vmem>>, vector<64x64xf32>
    %dot_general3A_87 = arith.constant dense<0.000000e+00> : vector<125x64xf32>
    %dot_general3A_88 = tpu.matmul %div3A_32, %get3A_86, %dot_general3A_87 {dimension_numbers = #tpu.dot_dimension_numbers<[1], [0], [0], [1], [0, 0, 1, 1], [], []>, transpose_lhs_hint = false} : vector<125x64xf32>, vector<64x64xf32>, vector<125x64xf32> -> vector<125x64xf32>
    %dot_general3A_89 = arith.constant dense<0.000000e+00> : vector<125x64xf32>
    %dot_general3A_90 = tpu.matmul %div3A_83, %get3A_86, %dot_general3A_89 {dimension_numbers = #tpu.dot_dimension_numbers<[1], [0], [0], [1], [0, 0, 1, 1], [], []>, transpose_lhs_hint = false} : vector<125x64xf32>, vector<64x64xf32>, vector<125x64xf32> -> vector<125x64xf32>
    %get3A_91 = arith.constant 0 : index
    %get3A_92 = memref.load %arg9[%get3A_91] : memref<1xf32, #tpu.memory_space<smem>>
    %mul3A_93 = arith.mulf %dot_general3A_88, %div3A_42 : vector<125x64xf32>
    %reduce_sum3A_94 = arith.constant dense<0.000000e+00> : vector<125xf32>
    %reduce_sum3A_95 = vector.multi_reduction <add>, %mul3A_93, %reduce_sum3A_94 [1] : vector<125x64xf32> to vector<125xf32>
    %broadcast_in_dim3A_96 = vector.shape_cast %reduce_sum3A_95 : vector<125xf32> to vector<125x1xf32>
    %add3A_97 = vector.broadcast %get3A_92 : f32 to vector<125x1xf32>
    %add3A_98 = arith.addf %broadcast_in_dim3A_96, %add3A_97 : vector<125x1xf32>
    %broadcast_in_dim3A_99 = vector.shape_cast %add3A_98 : vector<125x1xf32> to vector<1x125x1xf32>
    %swap3A = arith.constant 0 : index
    %swap3A_100 = arith.constant 0 : index
    %swap3A_101 = arith.constant 0 : index
    %swap3A_102 = vector.load %arg10[%swap3A, %swap3A_100, %swap3A_101] : memref<1x125x1xf32, #tpu.memory_space<vmem>>, vector<1x125x1xf32>
    tpu.vector_store %arg10[%swap3A, %swap3A_100, %swap3A_101], %broadcast_in_dim3A_99 {strides = array<i32>} : memref<1x125x1xf32, #tpu.memory_space<vmem>>, vector<1x125x1xf32>,
    %mul3A_103 = arith.mulf %dot_general3A_90, %div3A_42 : vector<125x64xf32>
    %reduce_sum3A_104 = arith.constant dense<0.000000e+00> : vector<125xf32>
    %reduce_sum3A_105 = vector.multi_reduction <add>, %mul3A_103, %reduce_sum3A_104 [1] : vector<125x64xf32> to vector<125xf32>
    %broadcast_in_dim3A_106 = vector.shape_cast %reduce_sum3A_105 : vector<125xf32> to vector<125x1xf32>
    %add3A_107 = vector.broadcast %get3A_92 : f32 to vector<125x1xf32>
    %add3A_108 = arith.addf %broadcast_in_dim3A_106, %add3A_107 : vector<125x1xf32>
    %broadcast_in_dim3A_109 = vector.shape_cast %add3A_108 : vector<125x1xf32> to vector<1x125x1xf32>
    %swap3A_110 = arith.constant 0 : index
    %swap3A_111 = arith.constant 0 : index
    %swap3A_112 = arith.constant 0 : index
    %swap3A_113 = vector.load %arg11[%swap3A_110, %swap3A_111, %swap3A_112] : memref<1x125x1xf32, #tpu.memory_space<vmem>>, vector<1x125x1xf32>
    tpu.vector_store %arg11[%swap3A_110, %swap3A_111, %swap3A_112], %broadcast_in_dim3A_109 {strides = array<i32>} : memref<1x125x1xf32, #tpu.memory_space<vmem>>, vector<1x125x1xf32>,
    return
  }
  func.func @transform_0(%arg0: i32) -> (i32, i32) {
    %c0_i32 = arith.constant 0 : i32
    %c0_i32_0 = arith.constant 0 : i32
    return %arg0, %c0_i32 : i32, i32
  }
  func.func @transform_1(%arg0: i32) -> (i32, i32) {
    %c0_i32 = arith.constant 0 : i32
    %c0_i32_0 = arith.constant 0 : i32
    return %arg0, %c0_i32 : i32, i32
  }
  func.func @transform_2(%arg0: i32) -> (i32, i32, i32, i32) {
    %c0_i32 = arith.constant 0 : i32
    %c0_i32_0 = arith.constant 0 : i32
    %c0_i32_1 = arith.constant 0 : i32
    %c0_i32_2 = arith.constant 0 : i32
    return %c0_i32, %arg0, %c0_i32_0, %c0_i32_1 : i32, i32, i32, i32
  }
  func.func @transform_3(%arg0: i32) -> (i32, i32, i32, i32) {
    %c1_i32 = arith.constant 1 : i32
    %c0_i32 = arith.constant 0 : i32
    %c0_i32_0 = arith.constant 0 : i32
    %c0_i32_1 = arith.constant 0 : i32
    return %c1_i32, %arg0, %c0_i32, %c0_i32_0 : i32, i32, i32, i32
  }
  func.func @transform_4(%arg0: i32) -> (i32, i32) {
    %c0_i32 = arith.constant 0 : i32
    %c0_i32_0 = arith.constant 0 : i32
    %c0_i32_1 = arith.constant 0 : i32
    return %c0_i32, %c0_i32_0 : i32, i32
  }
  func.func @transform_5(%arg0: i32) -> i32 {
    %c0_i32 = arith.constant 0 : i32
    %c0_i32_0 = arith.constant 0 : i32
    return %c0_i32 : i32
  }
  func.func @transform_6(%arg0: i32) -> (i32, i32) {
    %c0_i32 = arith.constant 0 : i32
    %c0_i32_0 = arith.constant 0 : i32
    %c0_i32_1 = arith.constant 0 : i32
    return %c0_i32, %c0_i32_0 : i32, i32
  }
  func.func @transform_7(%arg0: i32) -> i32 {
    %c0_i32 = arith.constant 0 : i32
    %c0_i32_0 = arith.constant 0 : i32
    return %c0_i32 : i32
  }
  func.func @transform_8(%arg0: i32) -> i32 {
    %c0_i32 = arith.constant 0 : i32
    %c0_i32_0 = arith.constant 0 : i32
    return %c0_i32 : i32
  }
  func.func @transform_9(%arg0: i32) -> (i32, i32, i32) {
    %c0_i32 = arith.constant 0 : i32
    %c0_i32_0 = arith.constant 0 : i32
    %c0_i32_1 = arith.constant 0 : i32
    return %arg0, %c0_i32, %c0_i32_0 : i32, i32, i32
  }
  func.func @transform_10(%arg0: i32) -> (i32, i32, i32) {
    %c0_i32 = arith.constant 0 : i32
    %c0_i32_0 = arith.constant 0 : i32
    %c0_i32_1 = arith.constant 0 : i32
    return %arg0, %c0_i32, %c0_i32_0 : i32, i32, i32
  }
}

</mosaic_0001>

<sc_bundles>
// kernel: kernel.4.cloned.1.call-start
scs
__scs_entry_jumppad:
0x0: {  	(pc) =	sbr.rel $0x88, $3  }
0x1: {  	(tag) =	ssettag $0x0;
	lr =	simm.s32 $0x1  }
0x2: {  	[smem:$0x3F96] =	sst lr;
	_ =	strace $0xD0000000  }
0x3: {  	_ = 	snop  }
0x4: {  	_ = 	snop  }
0x5: {  	_ = 	snop  }
0x6: {  	_ = 	snop  }
0x7: {  	_ = 	snop  }
__scs_overlays_trampoline_lowered:
0x8: {  	[smem:$0x3FA5] =	sst s0  }
0x9: {  	[smem:$0x3FA6] =	sst s1  }
0xa: {  	[smem:$0x3FA7] =	sst s2  }
0xb: {  	[smem:$0x3FA8] =	sst s3  }
0xc: {  	[smem:$0x3FA9] =	sst s4  }
0xd: {  	[smem:$0x3FAA] =	sst s5  }
0xe: {  	[smem:$0x3FAB] =	sst s6  }
0xf: {  	[smem:$0x3FAC] =	sst s7  }
0x10: {  	[smem:$0x3FAD] =	sst s8  }
0x11: {  	[smem:$0x3FAE] =	sst s9;
	s0 =	simm.s32 @!p0 $0x0  }
0x12: {  	s1 =	sld [smem:$0x3F94];
	s0 =	simm.s32 @p0 $0x1  }
0x13: {  	[smem:$0x3FAF] =	sst s0;
	s0 =	simm.s32 @!p1 $0x0  }
0x14: {  	s2 =	sld [smem:$0x3F93];
	s0 =	simm.s32 @p1 $0x1  }
0x15: {  	[smem:$0x3FB0] =	sst s0;
	s0 =	simm.s32 @!p2 $0x0  }
0x16: {  	s3 =	sld [smem:$0x3FDB];
	s0 =	simm.s32 @p2 $0x1  }
0x17: {  	s4 =	simm.s32 $0x1BF5;
	[smem:$0x3FB2] =	sst s0  }
0x18: {  	s0 =	sld [smem:$0x3F95];
	_ =	swait.ge [sflag:s4], $0x0  }
0x19: {  	s7 =	sld [smem:$0x3F96]  }
0x1a: {  	s8 =	sadd.s32 $0xFFFFE003, lr  }
0x1b: {  	s9 =	sadd.s32 $0xFFFFFEF7, lr;
	s5 =	simm.s32 $0xFFFFFFFF;
	p2 =	slt.u32 s8, $0xFFFFF086  }
0x1c: {  	p1 =	slt.u32 s9, $0xF7A;
	s5 =	simm.s32 @!p2 $0x0  }
0x1d: {  	s5 =	simm.s32 @p1 $0x1;
	p0 =	seq.s32 s7, s2  }
0x1e: {  	s7 =	smul.u32 @!p0 $0xF7A, s2;
	p2 =	seq.s32 @!p0 s5, $0x0  }
0x1f: {  	s9 =	smul.u32 $0xF7A, s1;
	s8 =	simm.s32 @!p0 $0x1BF5;
	p2 =	por !p2, p0  }
0x20: {  	[sflag:s8] =	ssyncset.s32 @!p0 $0xFFFFF086;
	s6 =	sadd.s32 @!p0 s3, s7;
	s7 =	simm.s32 @!p0 $0x108  }
0x21: {  	s3 =	sadd.s32 s3, s9;
	s6 =	sadd.s32 @!p0 $0x88, s6;
	s7 =	simm.s32 @p2 $0x1082  }
0x22: {  	[simem:s7], [sflag:s8] =	dma.local @!p0 [hbm:s6], $0xF7A  }
0x23: {  	s9 =	sor.u32 $0xD0000000, s2;
	s6 =	simm.s32 $0x108;
	_ =	swait.ge @!p0 [sflag:s8], $0x0  }
0x24: {  	s3 =	sadd.s32 $0x88, s3;
	s6 =	simm.s32 @!p1 $0x1082;
	[sflag:s4] =	ssyncset.s32 $0xFFFFF086  }
0x25: {  	[simem:s6], [sflag:s4] =	dma.local [hbm:s3], $0xF7A  }
0x26: {  	[smem:$0x3F96] =	sst s1;
	(tag) =	ssettag s2;
	_ =	strace s9  }
0x27: {  	s1 =	sld [smem:$0x3FA6]  }
0x28: {  	s2 =	sld [smem:$0x3FA7]  }
0x29: {  	s4 =	sld [smem:$0x3FA9]  }
0x2a: {  	p0 =	seq.s32 s5, $0x0;
	s5 =	sld [smem:$0x3FAA]  }
0x2b: {  	s6 =	sld [smem:$0x3FAB]  }
0x2c: {  	s7 =	sld [smem:$0x3FAC]  }
0x2d: {  	s3 =	simm.s32 $0x108;
	s8 =	sld [smem:$0x3FAD]  }
0x2e: {  	s3 =	simm.s32 @!p0 $0x1082;
	s9 =	sld [smem:$0x3FAE]  }
0x2f: {  	lr =	sadd.s32 s0, s3;
	s0 =	sld [smem:$0x3FA5]  }
0x30: {  	s3 =	sld [smem:$0x3FA8]  }
0x31: {  	[smem:$0x3FB1] =	sst s10  }
0x32: {  	s10 =	sld [smem:$0x3FAF];
	_ =	sdelay $0x3  }
0x33: {  	p0 =	seq.s32 s10, $0x1;
	s10 =	sld [smem:$0x3FB1];
	_ =	sdelay $0x3  }
0x34: {  	[smem:$0x3FB1] =	sst s10  }
0x35: {  	s10 =	sld [smem:$0x3FB0];
	_ =	sdelay $0x3  }
0x36: {  	p1 =	seq.s32 s10, $0x1;
	s10 =	sld [smem:$0x3FB1];
	_ =	sdelay $0x3  }
0x37: {  	[smem:$0x3FB1] =	sst s10  }
0x38: {  	s10 =	sld [smem:$0x3FB2]  }
0x39: {  	_ = 	snop;
	(pc) =	sbr.ind lr, $3  }
0x3a: {  	_ = 	snop  }
0x3b: {  	_ = 	snop  }
0x3c: {  	p2 =	seq.s32 s10, $0x1;
	s10 =	sld [smem:$0x3FB1]  }
0x3d: {  	_ =	shalt  }
0x3e: {  	_ =	shalt  }
0x3f: {  	_ =	shalt  }
0x40: {  	_ =	shalt  }
0x41: {  	_ =	shalt  }
0x42: {  	_ =	shalt  }
0x43: {  	_ =	shalt  }
0x44: {  	_ =	shalt  }
0x45: {  	_ =	shalt  }
0x46: {  	_ =	shalt  }
0x47: {  	_ =	shalt  }
0x48: {  	_ =	shalt  }
0x49: {  	_ =	shalt  }
0x4a: {  	_ =	shalt  }
0x4b: {  	_ =	shalt  }
0x4c: {  	_ =	shalt  }
0x4d: {  	_ =	shalt  }
0x4e: {  	_ =	shalt  }
0x4f: {  	_ =	shalt  }
0x50: {  	_ =	shalt  }
0x51: {  	_ =	shalt  }
0x52: {  	_ =	shalt  }
0x53: {  	_ =	shalt  }
0x54: {  	_ =	shalt  }
0x55: {  	_ =	shalt  }
0x56: {  	_ =	shalt  }
0x57: {  	_ =	shalt  }
0x58: {  	_ =	shalt  }
0x59: {  	_ =	shalt  }
0x5a: {  	_ =	shalt  }
0x5b: {  	_ =	shalt  }
0x5c: {  	_ =	shalt  }
0x5d: {  	_ =	shalt  }
0x5e: {  	_ =	shalt  }
0x5f: {  	_ =	shalt  }
0x60: {  	_ =	shalt  }
0x61: {  	_ =	shalt  }
0x62: {  	_ =	shalt  }
0x63: {  	_ =	shalt  }
0x64: {  	_ =	shalt  }
0x65: {  	_ =	shalt  }
0x66: {  	_ =	shalt  }
0x67: {  	_ =	shalt  }
0x68: {  	_ =	shalt  }
0x69: {  	_ =	shalt  }
0x6a: {  	_ =	shalt  }
0x6b: {  	_ =	shalt  }
0x6c: {  	_ =	shalt  }
0x6d: {  	_ =	shalt  }
0x6e: {  	_ =	shalt  }
0x6f: {  	_ =	shalt  }
0x70: {  	_ =	shalt  }
0x71: {  	_ =	shalt  }
0x72: {  	_ =	shalt  }
0x73: {  	_ =	shalt  }
0x74: {  	_ =	shalt  }
0x75: {  	_ =	shalt  }
0x76: {  	_ =	shalt  }
0x77: {  	_ =	shalt  }
0x78: {  	_ =	shalt  }
0x79: {  	_ =	shalt  }
0x7a: {  	_ =	shalt  }
0x7b: {  	_ =	shalt  }
0x7c: {  	_ =	shalt  }
0x7d: {  	_ =	shalt  }
0x7e: {  	_ =	shalt  }
0x7f: {  	_ =	shalt  }
0x80: {  	_ =	shalt  }
0x81: {  	_ =	shalt  }
0x82: {  	_ =	shalt  }
0x83: {  	_ =	shalt  }
0x84: {  	_ =	shalt  }
0x85: {  	_ =	shalt  }
0x86: {  	_ =	shalt  }
0x87: {  	_ =	shalt  }
.Lfunc_end0:
.L_simem_size_0:
called_computation_lowered:
.L_overlay_start_0:
0x88: {  	s2 =	sld [smem:$0x3FD9]  }
0x89: {  	s3 =	sld [smem:$0x3FFE];
	_ =	sdelay $0x1  }
0x8a: {  	s1 =	srdreg.scid  }
0x8b: {  	s0 =	sand.u32 $0x1, s1  }
0x8c: {  	s17 =	sshll.u32 s0, $0xA;
	s2 =	sadd.s32 s3, s2  }
0x8d: {  	s2 =	sadd.s32 s2, s17  }
0x8e: {  	[smem:$0x3FBD] =	sst s2  }
0x8f: {  	_ = 	snop  }
0x90: {  	s2 =	sld [smem:$0x3FC7]  }
0x91: {  	s18 =	sld [smem:$0x3FC4];
	(tm) =	ssettm $0x1  }
0x92: {  	s4 =	sld [smem:$0x3FFB];
	_ =	sdelay $0x3  }
0x93: {  	_ =	strace s4  }
0x94: {  	s4 =	sld [smem:$0x3FFC];
	_ =	sdelay $0x3  }
0x95: {  	_ =	strace s4  }
0x96: {  	s4 =	sld [smem:$0x3FFD];
	_ =	sdelay $0x3  }
0x97: {  	_ =	strace s4  }
0x98: {  	_ =	strace $0x8FFFFFFF  }
0x99: {  	s19 =	sld [smem:$0x3FDB];
	_ =	sdelay $0x1  }
0x9a: {  	s5 =	simm.s32 $_scs_section_size  }
0x9b: {  	s6 =	simm.s32 $_size__tile_overlayer_lowered;
	s7 =	simm.s32 $_tile_overlayer_lowered  }
0x9c: {  	s22 =	simm.s32 $0x1BFF;
	s21 =	sshll.u32 s7, $0x1;
	s4 =	sadd.s32 s5, s19  }
0x9d: {  	s8 =	simm.s32 $0x0;
	s20 =	sshll.u32 s6, $0x1;
	s6 =	sadd.s32 s21, s4  }
0x9e: {  	[timem:s8], [sflag:s22] =	dma.local [hbm:s6], s20  }
0x9f: {  	_ =	swait.ge [sflag:s22], s20  }
0xa0: {  	s5 =	ssub.s32 $0x0, s20;
	[sflag:s22] =	ssyncset.done $0x0  }
0xa1: {  	[sflag:s22] =	ssyncadd.s32 s5;
	_ =	sdelay $0x1  }
0xa2: {  	s23 =	simm.s32 $0x1B8B  }
0xa3: {  	_ =	swait.ge [sflag:s23], $0x1  }
0xa4: {  	[sflag:s23] =	ssyncset.done $0x0  }
0xa5: {  	s25 =	simm.s32 $0x1B8E;
	s24 =	sld [smem:$0x3FFE];
	[sflag:s23] =	ssyncadd.s32 $0xFFFFFFFF  }
0xa6: {  	s26 =	simm.s32 $execute0_lowered;
	[smem:$0x3FD2] =	sst s25  }
0xa7: {  	s6 =	sshll.u32 s26, $0x1;
	_ =	strace $0x80000046;
	[dreg:$0x1] =	wrdreg $0xFFFFFFFF  }
0xa8: {  	s28 =	simm.s32 $_size_execute0_lowered;
	s4 =	sadd.s32 s4, s6;
	[dreg:$0x0] =	wrdreg $0x0  }
0xa9: {  	s6 =	sshll.u32 s28, $0x1;
	[dreg:$0x2] =	wrdreg s4  }
0xaa: {  	[dreg:$0x3] =	wrdreg s6  }
0xab: {  	[dreg:$0x4] =	wrdreg $0xC0  }
0xac: {  	_ =	task [dreg:s8], $0x5FFFF  }
0xad: {  	[dreg:$0x1] =	wrdreg $0xFFFFFFFF  }
0xae: {  	[dreg:$0x0] =	wrdreg $0x60  }
0xaf: {  	[dreg:$0x2] =	wrdreg s24  }
0xb0: {  	[dreg:$0x3] =	wrdreg s2  }
0xb1: {  	[dreg:$0x4] =	wrdreg s18  }
0xb2: {  	[dreg:$0x5] =	wrdreg $0x113000  }
0xb3: {  	[dreg:$0x6] =	wrdreg $0x9  }
0xb4: {  	_ =	task.clear_ibuf [dreg:s8], $0x7FFFF;
	_ =	strace $0x90000046  }
0xb5: {  	s29 =	simm.s32 $0x9;
	_ =	strace $0x80000048  }
0xb6: {  	_ =	swait.ge [sflag:s29], $0x1  }
0xb7: {  	[sflag:s29] =	ssyncadd.s32 $0xFFFFFFFF  }
0xb8: {  	_ =	strace $0x90000048  }
0xb9: {  	_ =	sfence  }
0xba: {  	s30 =	sld [smem:$0x0];
	_ =	sdelay $0x2  }
0xbb: {  	s31 =	sshll.u32 s1, $0xD;
	s1 =	sshrl.u32 s1, $0x2  }
0xbc: {  	s3 =	sand.u32 $0x4000, s31;
	s1 =	sadd.s32 s1, s30  }
0xbd: {  	s0 =	sor.u32 s3, s0;
	s1 =	sshll.u32 s1, $0x11  }
0xbe: {  	s0 =	sor.u32 s1, s0  }
0xbf: {  	s0 =	sadd.s32 $0x8F2B, s0  }
0xc0: {  	[sflag:s0] =	ssyncadd.remote.s32 $0x1  }
0xc1: {  	_ =	sfence.sel $0xFFFF  }
0xc2: {  	[dreg:$0x0] =	wrdreg $0xFFFFFFFF;
	(pc) =	sbr.abs _section_cstart, $3  }
0xc3: {  	[dreg:$0x1] =	wrdreg $0xFFFFFFFF  }
0xc4: {  	_ =	task.clear_ibuf [dreg:s8], $0x2FFFF;
	_ =	strace $0x9FFFFFFF  }
0xc5: {  	(tm) =	ssettm $0x7FFFFFFF  }
tec
execute0_lowered:
.L_overlay_start_1:
0x0: {  	(tag) =	ssettag $0x1  }
0x1: {  	s4 =	rddreg [dreg:$0x0]  }
0x2: {  	s6 =	rddreg [dreg:$0x1]  }
0x3: {  	s10 =	rddreg [dreg:$0x2];
	s1 =	srdreg.scid  }
0x4: {  	s0 =	stileid.u32;
	s2 =	rddreg [dreg:$0x3]  }
0x5: {  	s3 =	simm.s32 $0x0;
	s17 =	simm.s32 $0x2;
	s18 =	simm.s32 $0x1  }
0x6: {  	s19 =	simm.s32 $0x4E20;
	s20 =	simm.s32 $0x0;
	s11 =	smul.u32 $0x2710, s0  }
0x7: {  	s5 =	sand.u32 $0x1, s1;
	s1 =	rddreg [dreg:$0x4];
	s9 =	smul.u32 $0x4E20, s0  }
0x8: {  	[smem:$0x7FF] =	sst s3;
	s8 =	sadd.s32 $0x1400, s4;
	s30 =	smul.u32 $0x9C40, s0  }
0x9: {  	s12 =	sadd.s32 $0x14E00, s4;
	s7 =	smul.u32 $0x27100, s5;
	s28 =	ssub.s32 $0x2, s5  }
0xa: {  	_ =	strace $0x80000047;
	p0 =	seq.s32 s5, $0x1;
	s29 =	sshrl.u32 s28, $0x1  }
0xb: {  	s14 =	sshrl.u32 s9, $0x3;
	s31 =	sshrl.u32 s30, $0x2;
	s7 =	sadd.s32 s11, s7  }
0xc: {  	s15 =	ssub.s32 s28, s29;
	s16 =	sadd.s32 $0x9C40, s14;
	s6 =	sadd.s32 s6, s14  }
.Ltmp0:
0xd: {  	s10 =	sadd.s32 s10, s14;
	s11 =	sadd.s32 s11, s2;
	(pc) =	sbr.rel .LBB2_1-.Ltmp0, $4  }
0xe: {  	s7 =	sshrl.u32 s7, $0x3;
	s5 =	sadd.s32 s8, s16;
	s9 =	sadd.s32 s12, s16  }
0xf: {  	s16 =	simm.s32 $0xEB80;
	s13 =	sadd.s32 s7, s4;
	s4 =	sadd.s32 s8, s14  }
0x10: {  	s7 =	sadd.s32 s31, s2;
	s8 =	sadd.s32 s12, s14;
	s14 =	simm.s32 $0x4E80  }
0x11: {  	v0 =	vimm.f32 $0.0e+00;
	s12 =	sadd.s32 $0x28800, s13;
	s13 =	smax.u32 s15, $0x1;
	s15 =	simm.s32 $0x9D00  }
.LBB2_11:
0x12: {  	v1 =	vshll.u32 v1, $0x4  }
0x13: {  	v1 =	vor.u32 v2, v1  }
0x14: {  	[tilespmem:s24+$0x40] =	vst v1  }
.LBB2_12:
0x15: {  	[spmem:s2] =	stream.indirect.scatter.add.f32 [tilespmem:s15], [sflag:$0x2], $0x1, s14, s19, $0xb8;
	[tilespmem:$0x13A10] =	vst v63  }
0x16: {  	_ =	swait.ge [sflag:s17], $0x4E20  }
0x17: {  	[sflag:s17] =	ssyncset.done $0x0  }
0x18: {  	[sflag:s17] =	ssyncadd.s32 $0xFFFFB1E0  }
0x19: {  	[bflag:$0x0] =	sbarrier.arrive $0xFFFF  }
0x1a: {  	[tilespmem:s16], [sflag:$0x2] =	stream.linear.gather [spmem:s11], $0x2710, $0x38;
	[tilespmem:$0x13A10] =	vst v63  }
0x1b: {  	s20 =	sadd.s32 $0x1, s20;
	_ =	swait.ge [sflag:s17], $0x2710  }
0x1c: {  	p1 =	sne.s32 s20, s13;
	[sflag:s17] =	ssyncset.done $0x0  }
.Ltmp1:
0x1d: {  	[sflag:s17] =	ssyncadd.s32 $0xFFFFD8F0;
	(pc) =	sbr.rel @!p1 .LBB2_13-.Ltmp1, $4  }
0x1e: {  	[hbm4b:s12+s3] =	stream.linear.scatter [tilespmem:s16], [sflag:$0x2], $0x2710, $0x38;
	[tilespmem:$0x13A10] =	vst v63  }
0x1f: {  	_ =	swait.ge [sflag:s17], $0x2710  }
0x20: {  	[sflag:s17] =	ssyncset.done $0x0  }
0x21: {  	[sflag:s17] =	ssyncadd.s32 $0xFFFFD8F0  }
.LBB2_1:
.Ltmp2:
0x22: {  	(pc) =	sbr.rel @!p0 .LBB2_2-.Ltmp2, $2  }
0x23: {  	_ =	sdelay $0x2  }
0x24: {  	s21 =	simm.s32 $0x0  }
0x25: {  	[tilespmem:s21], [sflag:$0x1] =	stream.linear.gather [hbm4b:s8+s21], $0x4E20, $0x38;
	[tilespmem:$0x13A10] =	vst v63  }
0x26: {  	_ = 	snop  }
0x27: {  	[tilespmem:s14], [sflag:$0x1] =	stream.linear.gather [hbm4b:s9+s21], $0x4E20, $0x38;
	[tilespmem:$0x13A10] =	vst v63  }
0x28: {  	_ = 	snop  }
0x29: {  	[tilespmem:s15], [sflag:$0x1] =	stream.linear.gather [hbm4b:s10+s21], $0x4E20, $0x38;
	[tilespmem:$0x13A10] =	vst v63  }
0x2a: {  	s22 =	simm.s32 $0x140;
	s21 =	simm.s32 $0x0  }
.LBB2_8:
0x2b: {  	p1 =	sne.s32 s22, $0x9B00;
	[tilespmem:s21+$0xEBC0] =	vst v0;
	s23 =	smov.u32 s22;
	s22 =	sadd.s32 $0x140, s22  }
.Ltmp3:
0x2c: {  	[tilespmem:s21+$0xEBB0] =	vst v0;
	(pc) =	sbr.rel @p1 .LBB2_8-.Ltmp3, $4  }
0x2d: {  	[tilespmem:s21+$0xEBA0] =	vst v0  }
0x2e: {  	[tilespmem:s21+$0xEB80] =	vst v0  }
0x2f: {  	[tilespmem:s21+$0xEB90] =	vst v0  }
0x30: {  	s21 =	sshra.s32 s23, $0x2  }
0x31: {  	[tilespmem:s21+$0xEBC0] =	vst v0  }
0x32: {  	[tilespmem:s21+$0xEBB0] =	vst v0  }
0x33: {  	[tilespmem:s21+$0xEBA0] =	vst v0  }
0x34: {  	[tilespmem:s21+$0xEB80] =	vst v0  }
0x35: {  	[tilespmem:s21+$0xEB90] =	vst v0  }
0x36: {  	[spmem:s7] =	stream.linear.scatter [tilespmem:s16], [sflag:$0x2], $0x2710, $0x38;
	[tilespmem:$0x13A10] =	vst v63  }
0x37: {  	_ =	swait.ge [sflag:s17], $0x2710  }
0x38: {  	[sflag:s17] =	ssyncset.done $0x0  }
0x39: {  	[sflag:s17] =	ssyncadd.s32 $0xFFFFD8F0  }
0x3a: {  	[bflag:$0x0] =	sbarrier.arrive $0xFFFF  }
0x3b: {  	_ =	swait.ge [sflag:s18], $0x4E20  }
0x3c: {  	[sflag:s18] =	ssyncset.done $0x0  }
0x3d: {  	[sflag:s18] =	ssyncadd.s32 $0xFFFFB1E0  }
0x3e: {  	_ =	swait.ge [sflag:s18], $0x4E20  }
0x3f: {  	[sflag:s18] =	ssyncset.done $0x0  }
0x40: {  	[sflag:s18] =	ssyncadd.s32 $0xFFFFB1E0  }
0x41: {  	_ =	swait.ge [sflag:s18], $0x4E20  }
0x42: {  	[sflag:s18] =	ssyncset.done $0x0  }
0x43: {  	s21 =	simm.s32 $0x4ED0;
	[sflag:s18] =	ssyncadd.s32 $0xFFFFB1E0  }
0x44: {  	s22 =	simm.s32 $0x50;
	v1 =	vld [tilespmem:s21+$0xFFFFFFB0]  }
0x45: {  	v2 =	vld [tilespmem:s22+$0xFFFFFFB0];
	_ =	sdelay $0x4  }
0x46: {  	v1 =	vshll.u32 v1, $0x4;
	v2 =	vand.u32 $0xF, v2  }
0x47: {  	v1 =	vor.u32 v2, v1  }
0x48: {  	[tilespmem:s21+$0xFFFFFFB0] =	vst v1;
	v1 =	vld [tilespmem:s21+$0xFFFFFFC0]  }
0x49: {  	v2 =	vld [tilespmem:s22+$0xFFFFFFC0];
	_ =	sdelay $0x4  }
0x4a: {  	v1 =	vshll.u32 v1, $0x4;
	v2 =	vand.u32 $0xF, v2  }
0x4b: {  	v1 =	vor.u32 v2, v1  }
0x4c: {  	[tilespmem:s21+$0xFFFFFFC0] =	vst v1;
	v1 =	vld [tilespmem:s21+$0xFFFFFFD0]  }
0x4d: {  	v2 =	vld [tilespmem:s22+$0xFFFFFFD0];
	_ =	sdelay $0x4  }
0x4e: {  	v1 =	vshll.u32 v1, $0x4;
	v2 =	vand.u32 $0xF, v2  }
0x4f: {  	v1 =	vor.u32 v2, v1  }
0x50: {  	[tilespmem:s21+$0xFFFFFFD0] =	vst v1;
	v1 =	vld [tilespmem:s21+$0xFFFFFFE0]  }
0x51: {  	v2 =	vld [tilespmem:s22+$0xFFFFFFE0];
	_ =	sdelay $0x4  }
0x52: {  	v1 =	vshll.u32 v1, $0x4;
	v2 =	vand.u32 $0xF, v2  }
0x53: {  	v1 =	vor.u32 v2, v1  }
0x54: {  	[tilespmem:s21+$0xFFFFFFE0] =	vst v1;
	v1 =	vld [tilespmem:s21+$0xFFFFFFF0]  }
0x55: {  	v2 =	vld [tilespmem:s22+$0xFFFFFFF0];
	_ =	sdelay $0x4  }
0x56: {  	v1 =	vshll.u32 v1, $0x4;
	v2 =	vand.u32 $0xF, v2  }
0x57: {  	v1 =	vor.u32 v2, v1  }
0x58: {  	[tilespmem:s21+$0xFFFFFFF0] =	vst v1;
	v1 =	vld [tilespmem:s21+$0x0]  }
0x59: {  	v2 =	vld [tilespmem:s22+$0x0];
	_ =	sdelay $0x4  }
0x5a: {  	v1 =	vshll.u32 v1, $0x4;
	v2 =	vand.u32 $0xF, v2  }
0x5b: {  	v1 =	vor.u32 v2, v1  }
0x5c: {  	[tilespmem:s21+$0x0] =	vst v1;
	v1 =	vld [tilespmem:s21+$0x10]  }
0x5d: {  	v2 =	vld [tilespmem:s22+$0x10];
	_ =	sdelay $0x4  }
0x5e: {  	v1 =	vshll.u32 v1, $0x4;
	v2 =	vand.u32 $0xF, v2  }
0x5f: {  	v1 =	vor.u32 v2, v1  }
0x60: {  	[tilespmem:s21+$0x10] =	vst v1;
	v1 =	vld [tilespmem:s21+$0x20]  }
0x61: {  	v2 =	vld [tilespmem:s22+$0x20];
	_ =	sdelay $0x4  }
0x62: {  	v1 =	vshll.u32 v1, $0x4;
	v2 =	vand.u32 $0xF, v2  }
0x63: {  	s23 =	simm.s32 $0x0;
	v1 =	vor.u32 v2, v1  }
0x64: {  	s23 =	sand.u32 $0x7FE0, s23;
	[tilespmem:s21+$0x20] =	vst v1  }
0x65: {  	v1 =	vld [tilespmem:s23+$0x80]  }
0x66: {  	v2 =	vld [tilespmem:s23+$0x4F00];
	_ =	sdelay $0x4  }
0x67: {  	v1 =	vand.u32 $0xF, v1;
	v2 =	vshll.u32 v2, $0x4  }
0x68: {  	v1 =	vor.u32 v1, v2  }
0x69: {  	[tilespmem:s23+$0x4F00] =	vst v1  }
0x6a: {  	v2 =	vld [tilespmem:s22+$0x40]  }
0x6b: {  	v1 =	vld [tilespmem:s21+$0x40];
	_ =	sdelay $0x3  }
0x6c: {  	s24 =	simm.s32 $0x4ED0;
	s23 =	simm.s32 $0xA0;
	v2 =	vand.u32 $0xF, v2  }
.LBB2_10:
0x6d: {  	p1 =	sne.s32 s23, $0x4D80;
	v1 =	vshll.u32 v1, $0x4;
	s21 =	sadd.s32 $0xA0, s21;
	s22 =	sadd.s32 $0xA0, s22  }
0x6e: {  	s25 =	smov.u32 s23;
	s23 =	sadd.s32 $0xA0, s23;
	v1 =	vor.u32 v2, v1  }
0x6f: {  	v2 =	vld [tilespmem:s21+$0xFFFFFFB0];
	[tilespmem:s24+$0x40] =	vst v1;
	s24 =	smov.u32 s21  }
0x70: {  	v1 =	vld [tilespmem:s22+$0xFFFFFFB0];
	_ =	sdelay $0x4  }
0x71: {  	v2 =	vshll.u32 v2, $0x4;
	v1 =	vand.u32 $0xF, v1  }
0x72: {  	v1 =	vor.u32 v1, v2  }
0x73: {  	[tilespmem:s21+$0xFFFFFFB0] =	vst v1;
	v1 =	vld [tilespmem:s21+$0xFFFFFFC0]  }
0x74: {  	v2 =	vld [tilespmem:s22+$0xFFFFFFC0];
	_ =	sdelay $0x4  }
0x75: {  	v1 =	vshll.u32 v1, $0x4;
	v2 =	vand.u32 $0xF, v2  }
0x76: {  	v1 =	vor.u32 v2, v1  }
0x77: {  	[tilespmem:s21+$0xFFFFFFC0] =	vst v1;
	v1 =	vld [tilespmem:s21+$0xFFFFFFD0]  }
0x78: {  	v2 =	vld [tilespmem:s22+$0xFFFFFFD0];
	_ =	sdelay $0x4  }
0x79: {  	v1 =	vshll.u32 v1, $0x4;
	v2 =	vand.u32 $0xF, v2  }
0x7a: {  	v1 =	vor.u32 v2, v1  }
0x7b: {  	[tilespmem:s21+$0xFFFFFFD0] =	vst v1;
	v1 =	vld [tilespmem:s21+$0xFFFFFFE0]  }
0x7c: {  	v2 =	vld [tilespmem:s22+$0xFFFFFFE0];
	_ =	sdelay $0x4  }
0x7d: {  	v1 =	vshll.u32 v1, $0x4;
	v2 =	vand.u32 $0xF, v2  }
0x7e: {  	v1 =	vor.u32 v2, v1  }
0x7f: {  	[tilespmem:s21+$0xFFFFFFE0] =	vst v1;
	v1 =	vld [tilespmem:s21+$0xFFFFFFF0]  }
0x80: {  	v2 =	vld [tilespmem:s22+$0xFFFFFFF0];
	_ =	sdelay $0x4  }
0x81: {  	v1 =	vshll.u32 v1, $0x4;
	v2 =	vand.u32 $0xF, v2  }
0x82: {  	v1 =	vor.u32 v2, v1  }
0x83: {  	[tilespmem:s21+$0xFFFFFFF0] =	vst v1;
	v1 =	vld [tilespmem:s21+$0x0]  }
0x84: {  	v2 =	vld [tilespmem:s22+$0x0];
	_ =	sdelay $0x4  }
0x85: {  	v1 =	vshll.u32 v1, $0x4;
	v2 =	vand.u32 $0xF, v2  }
0x86: {  	v1 =	vor.u32 v2, v1  }
0x87: {  	[tilespmem:s21+$0x0] =	vst v1;
	v1 =	vld [tilespmem:s21+$0x10]  }
0x88: {  	v2 =	vld [tilespmem:s22+$0x10];
	_ =	sdelay $0x4  }
0x89: {  	v1 =	vshll.u32 v1, $0x4;
	v2 =	vand.u32 $0xF, v2  }
0x8a: {  	v1 =	vor.u32 v2, v1  }
0x8b: {  	[tilespmem:s21+$0x10] =	vst v1;
	v1 =	vld [tilespmem:s21+$0x20]  }
0x8c: {  	v2 =	vld [tilespmem:s22+$0x20];
	_ =	sdelay $0x4  }
0x8d: {  	v1 =	vshll.u32 v1, $0x4;
	v2 =	vand.u32 $0xF, v2  }
0x8e: {  	v1 =	vor.u32 v2, v1  }
0x8f: {  	s25 =	sand.u32 $0x7FE0, s25;
	[tilespmem:s21+$0x20] =	vst v1  }
0x90: {  	v1 =	vld [tilespmem:s25+$0x80]  }
0x91: {  	v2 =	vld [tilespmem:s25+$0x4F00];
	_ =	sdelay $0x3  }
0x92: {  	v1 =	vand.u32 $0xF, v1  }
0x93: {  	v2 =	vshll.u32 v2, $0x4  }
0x94: {  	v1 =	vor.u32 v1, v2  }
0x95: {  	[tilespmem:s25+$0x4F00] =	vst v1  }
0x96: {  	v2 =	vld [tilespmem:s22+$0x40]  }
.Ltmp4:
0x97: {  	v1 =	vld [tilespmem:s21+$0x40];
	(pc) =	sbr.rel @p1 .LBB2_10-.Ltmp4, $2  }
0x98: {  	_ =	sdelay $0x2  }
0x99: {  	v2 =	vand.u32 $0xF, v2  }
.Ltmp5:
0x9a: {  	_ = 	snop;
	(pc) =	sbr.rel .LBB2_11-.Ltmp5, $1  }
0x9b: {  	_ =	sdelay $0x3  }
.LBB2_2:
0x9c: {  	[tilespmem:s21], [sflag:$0x1] =	stream.linear.gather [hbm4b:s4+s21], $0x4E20, $0x38;
	[tilespmem:$0x13A10] =	vst v63  }
0x9d: {  	_ = 	snop  }
0x9e: {  	[tilespmem:s14], [sflag:$0x1] =	stream.linear.gather [hbm4b:s5+s21], $0x4E20, $0x38;
	[tilespmem:$0x13A10] =	vst v63  }
0x9f: {  	_ = 	snop  }
0xa0: {  	[tilespmem:s15], [sflag:$0x1] =	stream.linear.gather [hbm4b:s6+s21], $0x4E20, $0x38;
	[tilespmem:$0x13A10] =	vst v63  }
0xa1: {  	s22 =	simm.s32 $0x140;
	s21 =	simm.s32 $0x0  }
.LBB2_3:
0xa2: {  	p1 =	sne.s32 s22, $0x9B00;
	[tilespmem:s21+$0xEBC0] =	vst v0;
	s23 =	smov.u32 s22;
	s22 =	sadd.s32 $0x140, s22  }
.Ltmp6:
0xa3: {  	[tilespmem:s21+$0xEBB0] =	vst v0;
	(pc) =	sbr.rel @p1 .LBB2_3-.Ltmp6, $4  }
0xa4: {  	[tilespmem:s21+$0xEBA0] =	vst v0  }
0xa5: {  	[tilespmem:s21+$0xEB80] =	vst v0  }
0xa6: {  	[tilespmem:s21+$0xEB90] =	vst v0  }
0xa7: {  	s21 =	sshra.s32 s23, $0x2  }
0xa8: {  	[tilespmem:s21+$0xEBC0] =	vst v0  }
0xa9: {  	[tilespmem:s21+$0xEBB0] =	vst v0  }
0xaa: {  	[tilespmem:s21+$0xEBA0] =	vst v0  }
0xab: {  	[tilespmem:s21+$0xEB80] =	vst v0  }
0xac: {  	[tilespmem:s21+$0xEB90] =	vst v0  }
0xad: {  	[spmem:s7] =	stream.linear.scatter [tilespmem:s16], [sflag:$0x2], $0x2710, $0x38;
	[tilespmem:$0x13A10] =	vst v63  }
0xae: {  	_ =	swait.ge [sflag:s17], $0x2710  }
0xaf: {  	[sflag:s17] =	ssyncset.done $0x0  }
0xb0: {  	[sflag:s17] =	ssyncadd.s32 $0xFFFFD8F0  }
0xb1: {  	[bflag:$0x0] =	sbarrier.arrive $0xFFFF  }
0xb2: {  	_ =	swait.ge [sflag:s18], $0x4E20  }
0xb3: {  	[sflag:s18] =	ssyncset.done $0x0  }
0xb4: {  	[sflag:s18] =	ssyncadd.s32 $0xFFFFB1E0  }
0xb5: {  	_ =	swait.ge [sflag:s18], $0x4E20  }
0xb6: {  	[sflag:s18] =	ssyncset.done $0x0  }
0xb7: {  	[sflag:s18] =	ssyncadd.s32 $0xFFFFB1E0  }
0xb8: {  	_ =	swait.ge [sflag:s18], $0x4E20  }
0xb9: {  	[sflag:s18] =	ssyncset.done $0x0  }
0xba: {  	s21 =	simm.s32 $0x4ED0;
	[sflag:s18] =	ssyncadd.s32 $0xFFFFB1E0  }
0xbb: {  	s22 =	simm.s32 $0x50;
	v1 =	vld [tilespmem:s21+$0xFFFFFFB0]  }
0xbc: {  	v2 =	vld [tilespmem:s22+$0xFFFFFFB0];
	_ =	sdelay $0x4  }
0xbd: {  	v1 =	vshll.u32 v1, $0x4;
	v2 =	vand.u32 $0xF, v2  }
0xbe: {  	v1 =	vor.u32 v2, v1  }
0xbf: {  	[tilespmem:s21+$0xFFFFFFB0] =	vst v1;
	v1 =	vld [tilespmem:s21+$0xFFFFFFC0]  }
0xc0: {  	v2 =	vld [tilespmem:s22+$0xFFFFFFC0];
	_ =	sdelay $0x4  }
0xc1: {  	v1 =	vshll.u32 v1, $0x4;
	v2 =	vand.u32 $0xF, v2  }
0xc2: {  	v1 =	vor.u32 v2, v1  }
0xc3: {  	[tilespmem:s21+$0xFFFFFFC0] =	vst v1;
	v1 =	vld [tilespmem:s21+$0xFFFFFFD0]  }
0xc4: {  	v2 =	vld [tilespmem:s22+$0xFFFFFFD0];
	_ =	sdelay $0x4  }
0xc5: {  	v1 =	vshll.u32 v1, $0x4;
	v2 =	vand.u32 $0xF, v2  }
0xc6: {  	v1 =	vor.u32 v2, v1  }
0xc7: {  	[tilespmem:s21+$0xFFFFFFD0] =	vst v1;
	v1 =	vld [tilespmem:s21+$0xFFFFFFE0]  }
0xc8: {  	v2 =	vld [tilespmem:s22+$0xFFFFFFE0];
	_ =	sdelay $0x4  }
0xc9: {  	v1 =	vshll.u32 v1, $0x4;
	v2 =	vand.u32 $0xF, v2  }
0xca: {  	v1 =	vor.u32 v2, v1  }
0xcb: {  	[tilespmem:s21+$0xFFFFFFE0] =	vst v1;
	v1 =	vld [tilespmem:s21+$0xFFFFFFF0]  }
0xcc: {  	v2 =	vld [tilespmem:s22+$0xFFFFFFF0];
	_ =	sdelay $0x4  }
0xcd: {  	v1 =	vshll.u32 v1, $0x4;
	v2 =	vand.u32 $0xF, v2  }
0xce: {  	v1 =	vor.u32 v2, v1  }
0xcf: {  	[tilespmem:s21+$0xFFFFFFF0] =	vst v1;
	v1 =	vld [tilespmem:s21+$0x0]  }
0xd0: {  	v2 =	vld [tilespmem:s22+$0x0];
	_ =	sdelay $0x4  }
0xd1: {  	v1 =	vshll.u32 v1, $0x4;
	v2 =	vand.u32 $0xF, v2  }
0xd2: {  	v1 =	vor.u32 v2, v1  }
0xd3: {  	[tilespmem:s21+$0x0] =	vst v1;
	v1 =	vld [tilespmem:s21+$0x10]  }
0xd4: {  	v2 =	vld [tilespmem:s22+$0x10];
	_ =	sdelay $0x4  }
0xd5: {  	v1 =	vshll.u32 v1, $0x4;
	v2 =	vand.u32 $0xF, v2  }
0xd6: {  	v1 =	vor.u32 v2, v1  }
0xd7: {  	[tilespmem:s21+$0x10] =	vst v1;
	v1 =	vld [tilespmem:s21+$0x20]  }
0xd8: {  	v2 =	vld [tilespmem:s22+$0x20];
	_ =	sdelay $0x4  }
0xd9: {  	v1 =	vshll.u32 v1, $0x4;
	v2 =	vand.u32 $0xF, v2  }
0xda: {  	s23 =	simm.s32 $0x0;
	v1 =	vor.u32 v2, v1  }
0xdb: {  	s23 =	sand.u32 $0x7FE0, s23;
	[tilespmem:s21+$0x20] =	vst v1  }
0xdc: {  	v1 =	vld [tilespmem:s23+$0x80]  }
0xdd: {  	v2 =	vld [tilespmem:s23+$0x4F00];
	_ =	sdelay $0x4  }
0xde: {  	v1 =	vand.u32 $0xF, v1;
	v2 =	vshll.u32 v2, $0x4  }
0xdf: {  	v1 =	vor.u32 v1, v2  }
0xe0: {  	[tilespmem:s23+$0x4F00] =	vst v1  }
0xe1: {  	v2 =	vld [tilespmem:s22+$0x40]  }
0xe2: {  	v1 =	vld [tilespmem:s21+$0x40];
	_ =	sdelay $0x3  }
0xe3: {  	s24 =	simm.s32 $0x4ED0;
	s23 =	simm.s32 $0xA0;
	v2 =	vand.u32 $0xF, v2  }
.LBB2_5:
0xe4: {  	p1 =	seq.s32 s23, $0x4D80;
	v1 =	vshll.u32 v1, $0x4;
	s21 =	sadd.s32 $0xA0, s21;
	s22 =	sadd.s32 $0xA0, s22  }
0xe5: {  	s25 =	smov.u32 s23;
	s23 =	sadd.s32 $0xA0, s23;
	v1 =	vor.u32 v2, v1  }
0xe6: {  	v2 =	vld [tilespmem:s21+$0xFFFFFFB0];
	[tilespmem:s24+$0x40] =	vst v1;
	s24 =	smov.u32 s21  }
0xe7: {  	v1 =	vld [tilespmem:s22+$0xFFFFFFB0];
	_ =	sdelay $0x4  }
0xe8: {  	v2 =	vshll.u32 v2, $0x4;
	v1 =	vand.u32 $0xF, v1  }
0xe9: {  	v1 =	vor.u32 v1, v2  }
0xea: {  	[tilespmem:s21+$0xFFFFFFB0] =	vst v1;
	v1 =	vld [tilespmem:s21+$0xFFFFFFC0]  }
0xeb: {  	v2 =	vld [tilespmem:s22+$0xFFFFFFC0];
	_ =	sdelay $0x4  }
0xec: {  	v1 =	vshll.u32 v1, $0x4;
	v2 =	vand.u32 $0xF, v2  }
0xed: {  	v1 =	vor.u32 v2, v1  }
0xee: {  	[tilespmem:s21+$0xFFFFFFC0] =	vst v1;
	v1 =	vld [tilespmem:s21+$0xFFFFFFD0]  }
0xef: {  	v2 =	vld [tilespmem:s22+$0xFFFFFFD0];
	_ =	sdelay $0x4  }
0xf0: {  	v1 =	vshll.u32 v1, $0x4;
	v2 =	vand.u32 $0xF, v2  }
0xf1: {  	v1 =	vor.u32 v2, v1  }
0xf2: {  	[tilespmem:s21+$0xFFFFFFD0] =	vst v1;
	v1 =	vld [tilespmem:s21+$0xFFFFFFE0]  }
0xf3: {  	v2 =	vld [tilespmem:s22+$0xFFFFFFE0];
	_ =	sdelay $0x4  }
0xf4: {  	v1 =	vshll.u32 v1, $0x4;
	v2 =	vand.u32 $0xF, v2  }
0xf5: {  	v1 =	vor.u32 v2, v1  }
0xf6: {  	[tilespmem:s21+$0xFFFFFFE0] =	vst v1;
	v1 =	vld [tilespmem:s21+$0xFFFFFFF0]  }
0xf7: {  	v2 =	vld [tilespmem:s22+$0xFFFFFFF0];
	_ =	sdelay $0x4  }
0xf8: {  	v1 =	vshll.u32 v1, $0x4;
	v2 =	vand.u32 $0xF, v2  }
0xf9: {  	v1 =	vor.u32 v2, v1  }
0xfa: {  	[tilespmem:s21+$0xFFFFFFF0] =	vst v1;
	v1 =	vld [tilespmem:s21+$0x0]  }
0xfb: {  	v2 =	vld [tilespmem:s22+$0x0];
	_ =	sdelay $0x4  }
0xfc: {  	v1 =	vshll.u32 v1, $0x4;
	v2 =	vand.u32 $0xF, v2  }
0xfd: {  	v1 =	vor.u32 v2, v1  }
0xfe: {  	[tilespmem:s21+$0x0] =	vst v1;
	v1 =	vld [tilespmem:s21+$0x10]  }
0xff: {  	v2 =	vld [tilespmem:s22+$0x10];
	_ =	sdelay $0x4  }
0x100: {  	v1 =	vshll.u32 v1, $0x4;
	v2 =	vand.u32 $0xF, v2  }
0x101: {  	v1 =	vor.u32 v2, v1  }
0x102: {  	[tilespmem:s21+$0x10] =	vst v1;
	v1 =	vld [tilespmem:s21+$0x20]  }
0x103: {  	v2 =	vld [tilespmem:s22+$0x20];
	_ =	sdelay $0x4  }
0x104: {  	v1 =	vshll.u32 v1, $0x4;
	v2 =	vand.u32 $0xF, v2  }
0x105: {  	v1 =	vor.u32 v2, v1  }
0x106: {  	s25 =	sand.u32 $0x7FE0, s25;
	[tilespmem:s21+$0x20] =	vst v1  }
0x107: {  	v1 =	vld [tilespmem:s25+$0x80]  }
0x108: {  	v2 =	vld [tilespmem:s25+$0x4F00];
	_ =	sdelay $0x3  }
0x109: {  	v1 =	vand.u32 $0xF, v1  }
0x10a: {  	v2 =	vshll.u32 v2, $0x4  }
0x10b: {  	v1 =	vor.u32 v1, v2  }
0x10c: {  	[tilespmem:s25+$0x4F00] =	vst v1  }
0x10d: {  	v2 =	vld [tilespmem:s22+$0x40]  }
.Ltmp7:
0x10e: {  	v1 =	vld [tilespmem:s21+$0x40];
	(pc) =	sbr.rel @!p1 .LBB2_5-.Ltmp7, $2  }
0x10f: {  	_ =	sdelay $0x2  }
0x110: {  	v2 =	vand.u32 $0xF, v2  }
.Ltmp8:
0x111: {  	(pc) =	sbr.rel .LBB2_12-.Ltmp8, $4  }
0x112: {  	_ = 	snop  }
0x113: {  	v1 =	vshll.u32 v1, $0x4  }
0x114: {  	v1 =	vor.u32 v2, v1  }
0x115: {  	[tilespmem:s24+$0x40] =	vst v1  }
.LBB2_13:
0x116: {  	_ =	sfence.sel $0x180000  }
0x117: {  	[bflag:$0x0] =	sbarrier.arrive $0xFFFF  }
0x118: {  	p0 =	sne.s32 s0, $0x0;
	_ =	strace $0x90000047  }
0x119: {  	s0 =	sadd.s32 @!p0 $0x100000, s1;
	[bflag:$0x2] =	sbarrier.arrive $0xFFFF  }
0x11a: {  	[sflag:s0] =	ssyncadd.tile.s32 @!p0 $0x1;
	_ =	shalt  }
.Lfunc_end2:
_tile_overlayer_lowered:
.L_overlay_start_2:
0x11b: {  	(tag) =	ssettag $0x2  }
0x11c: {  	s0 =	rddreg [dreg:$0x0];
	s2 =	stileid.u32  }
0x11d: {  	s1 =	rddreg [dreg:$0x1];
	p0 =	sne.s32 s2, $0x0  }
0x11e: {  	s3 =	rddreg [dreg:$0x2];
	[bflag:$0x3] =	sbarrier.arrive $0xFFFF;
	s2 =	simm.s32 @!p0 $0x1C02  }
0x11f: {  	[timem:s3], [sflag:s2] =	dma.local @!p0 [hbm:s0], s1  }
0x120: {  	s0 =	simm.s32 @!p0 $0x2  }
0x121: {  	_ =	swait.ge @!p0 [sflag:s0], s1  }
0x122: {  	s1 =	ssub.s32 @!p0 $0x0, s1;
	[sflag:s0] =	ssyncset.done @!p0 $0x0  }
0x123: {  	[sflag:s0] =	ssyncadd.s32 @!p0 s1  }
0x124: {  	[bflag:$0x3] =	sbarrier.arrive $0xFFFF  }
0x125: {  	_ =	shalt  }

</sc_bundles>
